<compile_context>
chip_gen: v7x
topology: tpu7x:2x2x1
jax: 0.10.2.dev20260603
libtpu: 0.0.44.dev20260713+nightly
codegen_flags: <defaults>
</compile_context>

<pallas_src>
import functools

import jax
import jax.numpy as jnp
from jax import lax
from jax.experimental import pallas as pl
from jax.experimental.pallas import tpu as pltpu
from jax.experimental.pallas import tpu_sc as plsc

E = 16
D = 512
F = 1024
TM = 512
EPS = 1e-12


def _sc_permute(table, idx, gather_side):
    n, d = idx.shape[0], table.shape[1]
    info = plsc.get_sparse_core_info()
    nw = info.num_cores * info.num_subcores
    per_w = n // nw
    ch = max(c for c in range(8, 81, 8) if per_w % c == 0)
    n_ch = per_w // ch
    nb = min(3, n_ch)
    idx3 = idx.reshape(nw, n_ch, ch)
    mesh = plsc.VectorSubcoreMesh(core_axis_name="c", subcore_axis_name="s")

    @functools.partial(
        pl.kernel,
        mesh=mesh,
        out_type=jax.ShapeDtypeStruct((n, d), table.dtype),
        scratch_types=[
            pltpu.VMEM((n_ch, ch), jnp.int32),
            pltpu.VMEM((nb, ch, d), table.dtype),
            pltpu.SemaphoreType.DMA((nb,)),
            pltpu.SemaphoreType.DMA((nb,)),
        ],
    )
    def permute_k(table_hbm, idx_hbm, out_hbm, idx_v, rows_v, gsem, ssem):
        wid = lax.axis_index("s") * info.num_cores + lax.axis_index("c")
        base = wid * per_w
        pltpu.sync_copy(idx_hbm.at[wid], idx_v)

        def start_read(i):
            src = (table_hbm.at[idx_v.at[i]] if gather_side
                   else table_hbm.at[pl.ds(base + i * ch, ch)])
            return pltpu.async_copy(src, rows_v.at[i % nb], gsem.at[i % nb])

        def start_write(i):
            dst = (out_hbm.at[pl.ds(base + i * ch, ch)] if gather_side
                   else out_hbm.at[idx_v.at[i]])
            return pltpu.async_copy(rows_v.at[i % nb], dst, ssem.at[i % nb])

        copies = [None] * n_ch
        stores = [None] * n_ch
        for i in range(min(nb - 1, n_ch)):
            copies[i] = start_read(i)
        for i in range(n_ch):
            copies[i].wait()
            stores[i] = start_write(i)
            j = i + nb - 1
            if j < n_ch:
                if i >= 1:
                    stores[i - 1].wait()
                copies[j] = start_read(j)
        for i in range(max(0, n_ch - nb), n_ch):
            stores[i].wait()

    return permute_k(table, idx3)


def _mlp_body(meta_ref, x_ref, w1_ref, b1_ref, w2_ref, b2_ref, gm_ref, bt_ref,
              o_ref):
    j = pl.program_id(0)
    lo = meta_ref[2, j]
    hi = meta_ref[3, j]
    x = x_ref[...]
    h = lax.dot_general(x, w1_ref[0], (((1,), (1,)), ((), ())),
                        preferred_element_type=jnp.float32)
    h = jax.nn.gelu(h + b1_ref[0])
    y = lax.dot_general(h, w2_ref[0], (((1,), (1,)), ((), ())),
                        preferred_element_type=jnp.float32)
    z = y + b2_ref[0] + x
    mu = jnp.mean(z, axis=1, keepdims=True)
    zc = z - mu
    var = jnp.mean(zc * zc, axis=1, keepdims=True)
    zn = zc * lax.rsqrt(var + EPS)
    res = zn * gm_ref[...] + bt_ref[...]
    rows = lax.broadcasted_iota(jnp.int32, (TM, 1), 0)
    mask = (rows >= lo) & (rows < hi)
    o_ref[...] = jnp.where(mask, res, o_ref[...])


def kernel(hidden_states, route, W1, b1, W2, b2, gamma, beta):
    b, s, _ = hidden_states.shape
    t = b * s
    nt = t // TM
    ni = nt + E - 1

    x = hidden_states.reshape(t, D)
    r = route.astype(jnp.int32)
    iota_t = jnp.arange(t, dtype=jnp.int32)

    rsort, tok = lax.sort_key_val(r, iota_t)
    o = jnp.searchsorted(rsort, jnp.arange(E, dtype=jnp.int32)).astype(
        jnp.int32)
    counts = jnp.diff(jnp.append(o, jnp.int32(t)))
    first = o // TM
    last = jnp.where(counts > 0, (o + counts - 1) // TM, first)
    n_e = jnp.where(counts > 0, last - first + 1, 0)
    cum = jnp.append(jnp.int32(0), jnp.cumsum(n_e)).astype(jnp.int32)
    jidx = jnp.arange(ni, dtype=jnp.int32)
    e_of = jnp.clip(jnp.searchsorted(cum, jidx, side="right") - 1,
                    0, E - 1).astype(jnp.int32)
    tile_of = jnp.clip(first[e_of] + (jidx - cum[e_of]), 0, nt - 1)
    valid = jidx < cum[E]
    row0 = tile_of * TM
    lo = jnp.where(valid, jnp.clip(o[e_of] - row0, 0, TM), 0)
    hi = jnp.where(valid, jnp.clip(o[e_of] + counts[e_of] - row0, 0, TM), 0)
    meta = jnp.stack([tile_of, e_of, lo, hi]).astype(jnp.int32)

    x_s = _sc_permute(x, tok, gather_side=True)

    grid_spec = pltpu.PrefetchScalarGridSpec(
        num_scalar_prefetch=1,
        grid=(ni,),
        in_specs=[
            pl.BlockSpec((TM, D), lambda j, m: (m[0, j], 0)),
            pl.BlockSpec((1, F, D), lambda j, m: (m[1, j], 0, 0)),
            pl.BlockSpec((1, 1, F), lambda j, m: (m[1, j], 0, 0)),
            pl.BlockSpec((1, D, F), lambda j, m: (m[1, j], 0, 0)),
            pl.BlockSpec((1, 1, D), lambda j, m: (m[1, j], 0, 0)),
            pl.BlockSpec((1, D), lambda j, m: (0, 0)),
            pl.BlockSpec((1, D), lambda j, m: (0, 0)),
        ],
        out_specs=pl.BlockSpec((TM, D), lambda j, m: (m[0, j], 0)),
    )
    out_s = pl.pallas_call(
        _mlp_body,
        grid_spec=grid_spec,
        out_shape=jax.ShapeDtypeStruct((t, D), jnp.float32),
    )(meta, x_s, W1, b1.reshape(E, 1, F), W2, b2.reshape(E, 1, D),
      gamma.reshape(1, D), beta.reshape(1, D))

    y = _sc_permute(out_s, tok, gather_side=False)
    return y.reshape(b, s, D)

# --- scband reference (transcript-rebuilt; emitter-appended) ---
"""Pipeline reference for scband-fused-thor-mo-e-52304111730968 (READ-ONLY COPY).

The authoritative reference and input builder live on the scoring server;
editing this copy changes nothing except your own understanding.
"""

import jax, jax.numpy as jnp
import numpy as np

E = 16
D = 512
F = 1024
B = 4
S = 2048
T = B * S
EPS = 1e-12


def setup_inputs(seed: int = 0) -> dict:
    key = jax.random.key(seed)
    ks = jax.random.split(key, 6)
    hidden_states = jax.random.normal(ks[0], (B, S, D), dtype=jnp.float32)
    # random scatter router: each token assigned uniformly to one expert
    route = jax.random.randint(ks[1], (T,), 0, E, dtype=jnp.int32)
    # expert weights, torch nn.Linear layout: weight [out, in], bias [out]
    W1 = jax.random.normal(ks[2], (E, F, D), dtype=jnp.float32) * 0.02
    b1 = jnp.zeros((E, F), dtype=jnp.float32)
    W2 = jax.random.normal(ks[3], (E, D, F), dtype=jnp.float32) * 0.02
    b2 = jnp.zeros((E, D), dtype=jnp.float32)
    gamma = jnp.ones((D,), dtype=jnp.float32)
    beta = jnp.zeros((D,), dtype=jnp.float32)
    return {"hidden_states": hidden_states, "route": route, "W1": W1, "b1": b1,
            "W2": W2, "b2": b2, "gamma": gamma, "beta": beta}


def reference(hidden_states, route, W1, b1, W2, b2, gamma, beta):
    x = hidden_states.reshape(-1, D)
    out = jnp.zeros_like(x)
    # scatter-route tokens to experts, run per-expert 2-layer MLP, gather back
    for e in range(E):
        h = jax.nn.gelu(x @ W1[e].T + b1[e])
        ye = h @ W2[e].T + b2[e]
        out = jnp.where(route[:, None] == e, ye, out)
    y = out.reshape(hidden_states.shape) + hidden_states
    mu = jnp.mean(y, axis=-1, keepdims=True)
    var = jnp.var(y, axis=-1, keepdims=True)
    yn = (y - mu) / jnp.sqrt(var + EPS)
    return yn * gamma + beta

if __name__ == "__main__":
    import jax
    _d = setup_inputs()
    print(jax.jit(kernel)(*tuple(_d.values())))

</pallas_src>

<mosaic_0001>
#map = affine_map<(d0, d1) -> (0, 0)>
#map1 = affine_map<(d0, d1) -> (0, 0, 0)>
module attributes {stable_mosaic.version = 14 : i64} {
  func.func @permute_k(%arg0: i32, %arg1: i32, %arg2: memref<8192x512xf32, #tpu.memory_space<hbm>>, %arg3: memref<32x4x64xi32, #tpu.memory_space<hbm>>, %arg4: memref<8192x512xf32, #tpu.memory_space<hbm>>, %arg5: memref<4x64xi32, #tpu.memory_space<vmem>>, %arg6: memref<3x64x512xf32, #tpu.memory_space<vmem>>, %arg7: memref<3x!tpu.dma_semaphore, #tpu.memory_space<semaphore_mem>>, %arg8: memref<3x!tpu.dma_semaphore, #tpu.memory_space<semaphore_mem>>) attributes {dimension_semantics = [#tpu.dimension_semantics<core_parallel>, #tpu.dimension_semantics<subcore_parallel>], iteration_bounds = array<i64: 2, 16>, scalar_prefetch = 0 : i64, scratch_operands = 4 : i64, tpu.core_type = #tpu.core_type<sc_vector_subcore>, window_params = [{transform_indices = #map}, {transform_indices = #map1}, {transform_indices = #map}]} {
    %mul3A = arith.constant 2 : i32
    %mul3A_0 = arith.muli %arg1, %mul3A : i32
    %add3A = arith.addi %mul3A_0, %arg0 : i32
    %mul3A_1 = arith.constant 256 : i32
    %mul3A_2 = arith.muli %add3A, %mul3A_1 : i32
    "tpu.region"() ({
      %run_scoped3A = tpu.sem_alloc : memref<!tpu.dma_semaphore, #tpu.memory_space<semaphore_mem>>
      %dma_start3A_257 = arith.constant 0 : i32
      %dma_start3A_258 = arith.constant 0 : i32
      %dma_start3A_259 = tpu.memref_slice %arg3[%add3A, %dma_start3A_257, %dma_start3A_258] : memref<32x4x64xi32, #tpu.memory_space<hbm>> -> memref<1x4x64xi32, #tpu.memory_space<hbm>>
      %dma_start3A_260 = tpu.memref_squeeze %dma_start3A_259 : memref<1x4x64xi32, #tpu.memory_space<hbm>> -> memref<4x64xi32, #tpu.memory_space<hbm>>
      %dma_start3A_261 = arith.constant 0 : i32
      %dma_start3A_262 = arith.constant 0 : i32
      %dma_start3A_263 = tpu.memref_slice %arg3[%add3A, %dma_start3A_261, %dma_start3A_262] : memref<32x4x64xi32, #tpu.memory_space<hbm>> -> memref<1x4x64xi32, #tpu.memory_space<hbm>>
      %dma_start3A_264 = tpu.memref_squeeze %dma_start3A_263 : memref<1x4x64xi32, #tpu.memory_space<hbm>> -> memref<4x64xi32, #tpu.memory_space<hbm>>
      tpu.enqueue_dma source(%dma_start3A_264 : memref<4x64xi32, #tpu.memory_space<hbm>>) target(%arg5 : memref<4x64xi32, #tpu.memory_space<vmem>>) target_semaphore(%run_scoped3A : memref<!tpu.dma_semaphore, #tpu.memory_space<semaphore_mem>>)
      %dma_wait3A_265 = arith.constant 0 : i32
      %dma_wait3A_266 = arith.constant 0 : i32
      %dma_wait3A_267 = tpu.memref_slice %arg3[%add3A, %dma_wait3A_265, %dma_wait3A_266] : memref<32x4x64xi32, #tpu.memory_space<hbm>> -> memref<1x4x64xi32, #tpu.memory_space<hbm>>
      %dma_wait3A_268 = tpu.memref_squeeze %dma_wait3A_267 : memref<1x4x64xi32, #tpu.memory_space<hbm>> -> memref<4x64xi32, #tpu.memory_space<hbm>>
      %dma_wait3A_269 = arith.constant 0 : i32
      %dma_wait3A_270 = arith.constant 0 : i32
      %dma_wait3A_271 = tpu.memref_slice %arg3[%add3A, %dma_wait3A_269, %dma_wait3A_270] : memref<32x4x64xi32, #tpu.memory_space<hbm>> -> memref<1x4x64xi32, #tpu.memory_space<hbm>>
      %dma_wait3A_272 = tpu.memref_squeeze %dma_wait3A_271 : memref<1x4x64xi32, #tpu.memory_space<hbm>> -> memref<4x64xi32, #tpu.memory_space<hbm>>
      tpu.wait_dma2 semaphore(%run_scoped3A : memref<!tpu.dma_semaphore, #tpu.memory_space<semaphore_mem>>) src(%dma_wait3A_272 : memref<4x64xi32, #tpu.memory_space<hbm>>) dst(%arg5 : memref<4x64xi32, #tpu.memory_space<vmem>>)
      tpu.yield
    }) : () -> ()
    %add3A_3 = arith.constant 0 : i32
    %add3A_4 = arith.addi %mul3A_2, %add3A_3 : i32
    %dma_start3A = arith.constant 0 : i32
    %dma_start3A_5 = arith.constant 0 : i32
    %dma_start3A_6 = arith.constant 0 : i32
    %dma_start3A_7 = arith.constant 0 : i32
    %dma_start3A_8 = tpu.memref_slice %arg6[%dma_start3A, %dma_start3A_6, %dma_start3A_7] : memref<3x64x512xf32, #tpu.memory_space<vmem>> -> memref<1x64x512xf32, #tpu.memory_space<vmem>>
    %dma_start3A_9 = tpu.memref_squeeze %dma_start3A_8 : memref<1x64x512xf32, #tpu.memory_space<vmem>> -> memref<64x512xf32, #tpu.memory_space<vmem>>
    %dma_start3A_10 = arith.constant 0 : i32
    %dma_start3A_11 = tpu.memref_slice %arg2[%add3A_4, %dma_start3A_10] : memref<8192x512xf32, #tpu.memory_space<hbm>> -> memref<64x512xf32, #tpu.memory_space<hbm>>
    %dma_start3A_12 = tpu.memref_slice %arg7[%dma_start3A_5] : memref<3x!tpu.dma_semaphore, #tpu.memory_space<semaphore_mem>> -> memref<1x!tpu.dma_semaphore, #tpu.memory_space<semaphore_mem>>
    %dma_start3A_13 = tpu.memref_squeeze %dma_start3A_12 : memref<1x!tpu.dma_semaphore, #tpu.memory_space<semaphore_mem>> -> memref<!tpu.dma_semaphore, #tpu.memory_space<semaphore_mem>>
    %dma_start3A_14 = arith.constant 0 : i32
    %dma_start3A_15 = arith.constant 0 : i32
    %dma_start3A_16 = tpu.memref_slice %arg6[%dma_start3A, %dma_start3A_14, %dma_start3A_15] : memref<3x64x512xf32, #tpu.memory_space<vmem>> -> memref<1x64x512xf32, #tpu.memory_space<vmem>>
    %dma_start3A_17 = tpu.memref_squeeze %dma_start3A_16 : memref<1x64x512xf32, #tpu.memory_space<vmem>> -> memref<64x512xf32, #tpu.memory_space<vmem>>
    %dma_start3A_18 = arith.constant 0 : i32
    %dma_start3A_19 = tpu.memref_slice %arg2[%add3A_4, %dma_start3A_18] : memref<8192x512xf32, #tpu.memory_space<hbm>> -> memref<64x512xf32, #tpu.memory_space<hbm>>
    tpu.enqueue_dma source(%dma_start3A_19 : memref<64x512xf32, #tpu.memory_space<hbm>>) target(%dma_start3A_17 : memref<64x512xf32, #tpu.memory_space<vmem>>) target_semaphore(%dma_start3A_13 : memref<!tpu.dma_semaphore, #tpu.memory_space<semaphore_mem>>)
    %add3A_20 = arith.constant 64 : i32
    %add3A_21 = arith.addi %mul3A_2, %add3A_20 : i32
    %dma_start3A_22 = arith.constant 1 : i32
    %dma_start3A_23 = arith.constant 1 : i32
    %dma_start3A_24 = arith.constant 0 : i32
    %dma_start3A_25 = arith.constant 0 : i32
    %dma_start3A_26 = tpu.memref_slice %arg6[%dma_start3A_22, %dma_start3A_24, %dma_start3A_25] : memref<3x64x512xf32, #tpu.memory_space<vmem>> -> memref<1x64x512xf32, #tpu.memory_space<vmem>>
    %dma_start3A_27 = tpu.memref_squeeze %dma_start3A_26 : memref<1x64x512xf32, #tpu.memory_space<vmem>> -> memref<64x512xf32, #tpu.memory_space<vmem>>
    %dma_start3A_28 = arith.constant 0 : i32
    %dma_start3A_29 = tpu.memref_slice %arg2[%add3A_21, %dma_start3A_28] : memref<8192x512xf32, #tpu.memory_space<hbm>> -> memref<64x512xf32, #tpu.memory_space<hbm>>
    %dma_start3A_30 = tpu.memref_slice %arg7[%dma_start3A_23] : memref<3x!tpu.dma_semaphore, #tpu.memory_space<semaphore_mem>> -> memref<1x!tpu.dma_semaphore, #tpu.memory_space<semaphore_mem>>
    %dma_start3A_31 = tpu.memref_squeeze %dma_start3A_30 : memref<1x!tpu.dma_semaphore, #tpu.memory_space<semaphore_mem>> -> memref<!tpu.dma_semaphore, #tpu.memory_space<semaphore_mem>>
    %dma_start3A_32 = arith.constant 0 : i32
    %dma_start3A_33 = arith.constant 0 : i32
    %dma_start3A_34 = tpu.memref_slice %arg6[%dma_start3A_22, %dma_start3A_32, %dma_start3A_33] : memref<3x64x512xf32, #tpu.memory_space<vmem>> -> memref<1x64x512xf32, #tpu.memory_space<vmem>>
    %dma_start3A_35 = tpu.memref_squeeze %dma_start3A_34 : memref<1x64x512xf32, #tpu.memory_space<vmem>> -> memref<64x512xf32, #tpu.memory_space<vmem>>
    %dma_start3A_36 = arith.constant 0 : i32
    %dma_start3A_37 = tpu.memref_slice %arg2[%add3A_21, %dma_start3A_36] : memref<8192x512xf32, #tpu.memory_space<hbm>> -> memref<64x512xf32, #tpu.memory_space<hbm>>
    tpu.enqueue_dma source(%dma_start3A_37 : memref<64x512xf32, #tpu.memory_space<hbm>>) target(%dma_start3A_35 : memref<64x512xf32, #tpu.memory_space<vmem>>) target_semaphore(%dma_start3A_31 : memref<!tpu.dma_semaphore, #tpu.memory_space<semaphore_mem>>)
    %dma_wait3A = arith.constant 0 : i32
    %dma_wait3A_38 = arith.constant 0 : i32
    %dma_wait3A_39 = arith.constant 0 : i32
    %dma_wait3A_40 = arith.constant 0 : i32
    %dma_wait3A_41 = tpu.memref_slice %arg6[%dma_wait3A, %dma_wait3A_39, %dma_wait3A_40] : memref<3x64x512xf32, #tpu.memory_space<vmem>> -> memref<1x64x512xf32, #tpu.memory_space<vmem>>
    %dma_wait3A_42 = tpu.memref_squeeze %dma_wait3A_41 : memref<1x64x512xf32, #tpu.memory_space<vmem>> -> memref<64x512xf32, #tpu.memory_space<vmem>>
    %dma_wait3A_43 = arith.constant 0 : i32
    %dma_wait3A_44 = tpu.memref_slice %arg2[%add3A_4, %dma_wait3A_43] : memref<8192x512xf32, #tpu.memory_space<hbm>> -> memref<64x512xf32, #tpu.memory_space<hbm>>
    %dma_wait3A_45 = tpu.memref_slice %arg7[%dma_wait3A_38] : memref<3x!tpu.dma_semaphore, #tpu.memory_space<semaphore_mem>> -> memref<1x!tpu.dma_semaphore, #tpu.memory_space<semaphore_mem>>
    %dma_wait3A_46 = tpu.memref_squeeze %dma_wait3A_45 : memref<1x!tpu.dma_semaphore, #tpu.memory_space<semaphore_mem>> -> memref<!tpu.dma_semaphore, #tpu.memory_space<semaphore_mem>>
    %dma_wait3A_47 = arith.constant 0 : i32
    %dma_wait3A_48 = arith.constant 0 : i32
    %dma_wait3A_49 = tpu.memref_slice %arg6[%dma_wait3A, %dma_wait3A_47, %dma_wait3A_48] : memref<3x64x512xf32, #tpu.memory_space<vmem>> -> memref<1x64x512xf32, #tpu.memory_space<vmem>>
    %dma_wait3A_50 = tpu.memref_squeeze %dma_wait3A_49 : memref<1x64x512xf32, #tpu.memory_space<vmem>> -> memref<64x512xf32, #tpu.memory_space<vmem>>
    %dma_wait3A_51 = arith.constant 0 : i32
    %dma_wait3A_52 = tpu.memref_slice %arg2[%add3A_4, %dma_wait3A_51] : memref<8192x512xf32, #tpu.memory_space<hbm>> -> memref<64x512xf32, #tpu.memory_space<hbm>>
    tpu.wait_dma2 semaphore(%dma_wait3A_46 : memref<!tpu.dma_semaphore, #tpu.memory_space<semaphore_mem>>) src(%dma_wait3A_52 : memref<64x512xf32, #tpu.memory_space<hbm>>) dst(%dma_wait3A_50 : memref<64x512xf32, #tpu.memory_space<vmem>>)
    %dma_start3A_53 = arith.constant 0 : i32
    %dma_start3A_54 = arith.constant 0 : i32
    %dma_start3A_55 = arith.constant 0 : i32
    %dma_start3A_56 = arith.constant 0 : i32
    %dma_start3A_57 = arith.constant 0 : i32
    %dma_start3A_58 = tpu.memref_slice %arg6[%dma_start3A_53, %dma_start3A_56, %dma_start3A_57] : memref<3x64x512xf32, #tpu.memory_space<vmem>> -> memref<1x64x512xf32, #tpu.memory_space<vmem>>
    %dma_start3A_59 = tpu.memref_squeeze %dma_start3A_58 : memref<1x64x512xf32, #tpu.memory_space<vmem>> -> memref<64x512xf32, #tpu.memory_space<vmem>>
    %dma_start3A_60 = arith.constant 0 : i32
    %dma_start3A_61 = tpu.memref_slice %arg5[%dma_start3A_54, %dma_start3A_60] : memref<4x64xi32, #tpu.memory_space<vmem>> -> memref<1x64xi32, #tpu.memory_space<vmem>>
    %dma_start3A_62 = tpu.memref_squeeze %dma_start3A_61 : memref<1x64xi32, #tpu.memory_space<vmem>> -> memref<64xi32, #tpu.memory_space<vmem>>
    %dma_start3A_63 = arith.constant 0 : i32
    %dma_start3A_64 = arith.constant 0 : i32
    %dma_start3A_65 = tpu.memref_slice %arg4[%dma_start3A_63, %dma_start3A_64] : memref<8192x512xf32, #tpu.memory_space<hbm>> -> memref<8192x512xf32, #tpu.memory_space<hbm>>
    %dma_start3A_66 = tpu.memref_slice %arg8[%dma_start3A_55] : memref<3x!tpu.dma_semaphore, #tpu.memory_space<semaphore_mem>> -> memref<1x!tpu.dma_semaphore, #tpu.memory_space<semaphore_mem>>
    %dma_start3A_67 = tpu.memref_squeeze %dma_start3A_66 : memref<1x!tpu.dma_semaphore, #tpu.memory_space<semaphore_mem>> -> memref<!tpu.dma_semaphore, #tpu.memory_space<semaphore_mem>>
    tpu.enqueue_indirect_dma source(%dma_start3A_59 : memref<64x512xf32, #tpu.memory_space<vmem>>) target(%dma_start3A_65 : memref<8192x512xf32, #tpu.memory_space<hbm>>) offsets(%dma_start3A_62 : memref<64xi32, #tpu.memory_space<vmem>>) semaphore(%dma_start3A_67 : memref<!tpu.dma_semaphore, #tpu.memory_space<semaphore_mem>>)
    %add3A_68 = arith.constant 128 : i32
    %add3A_69 = arith.addi %mul3A_2, %add3A_68 : i32
    %dma_start3A_70 = arith.constant 2 : i32
    %dma_start3A_71 = arith.constant 2 : i32
    %dma_start3A_72 = arith.constant 0 : i32
    %dma_start3A_73 = arith.constant 0 : i32
    %dma_start3A_74 = tpu.memref_slice %arg6[%dma_start3A_70, %dma_start3A_72, %dma_start3A_73] : memref<3x64x512xf32, #tpu.memory_space<vmem>> -> memref<1x64x512xf32, #tpu.memory_space<vmem>>
    %dma_start3A_75 = tpu.memref_squeeze %dma_start3A_74 : memref<1x64x512xf32, #tpu.memory_space<vmem>> -> memref<64x512xf32, #tpu.memory_space<vmem>>
    %dma_start3A_76 = arith.constant 0 : i32
    %dma_start3A_77 = tpu.memref_slice %arg2[%add3A_69, %dma_start3A_76] : memref<8192x512xf32, #tpu.memory_space<hbm>> -> memref<64x512xf32, #tpu.memory_space<hbm>>
    %dma_start3A_78 = tpu.memref_slice %arg7[%dma_start3A_71] : memref<3x!tpu.dma_semaphore, #tpu.memory_space<semaphore_mem>> -> memref<1x!tpu.dma_semaphore, #tpu.memory_space<semaphore_mem>>
    %dma_start3A_79 = tpu.memref_squeeze %dma_start3A_78 : memref<1x!tpu.dma_semaphore, #tpu.memory_space<semaphore_mem>> -> memref<!tpu.dma_semaphore, #tpu.memory_space<semaphore_mem>>
    %dma_start3A_80 = arith.constant 0 : i32
    %dma_start3A_81 = arith.constant 0 : i32
    %dma_start3A_82 = tpu.memref_slice %arg6[%dma_start3A_70, %dma_start3A_80, %dma_start3A_81] : memref<3x64x512xf32, #tpu.memory_space<vmem>> -> memref<1x64x512xf32, #tpu.memory_space<vmem>>
    %dma_start3A_83 = tpu.memref_squeeze %dma_start3A_82 : memref<1x64x512xf32, #tpu.memory_space<vmem>> -> memref<64x512xf32, #tpu.memory_space<vmem>>
    %dma_start3A_84 = arith.constant 0 : i32
    %dma_start3A_85 = tpu.memref_slice %arg2[%add3A_69, %dma_start3A_84] : memref<8192x512xf32, #tpu.memory_space<hbm>> -> memref<64x512xf32, #tpu.memory_space<hbm>>
    tpu.enqueue_dma source(%dma_start3A_85 : memref<64x512xf32, #tpu.memory_space<hbm>>) target(%dma_start3A_83 : memref<64x512xf32, #tpu.memory_space<vmem>>) target_semaphore(%dma_start3A_79 : memref<!tpu.dma_semaphore, #tpu.memory_space<semaphore_mem>>)
    %dma_wait3A_86 = arith.constant 1 : i32
    %dma_wait3A_87 = arith.constant 1 : i32
    %dma_wait3A_88 = arith.constant 0 : i32
    %dma_wait3A_89 = arith.constant 0 : i32
    %dma_wait3A_90 = tpu.memref_slice %arg6[%dma_wait3A_86, %dma_wait3A_88, %dma_wait3A_89] : memref<3x64x512xf32, #tpu.memory_space<vmem>> -> memref<1x64x512xf32, #tpu.memory_space<vmem>>
    %dma_wait3A_91 = tpu.memref_squeeze %dma_wait3A_90 : memref<1x64x512xf32, #tpu.memory_space<vmem>> -> memref<64x512xf32, #tpu.memory_space<vmem>>
    %dma_wait3A_92 = arith.constant 0 : i32
    %dma_wait3A_93 = tpu.memref_slice %arg2[%add3A_21, %dma_wait3A_92] : memref<8192x512xf32, #tpu.memory_space<hbm>> -> memref<64x512xf32, #tpu.memory_space<hbm>>
    %dma_wait3A_94 = tpu.memref_slice %arg7[%dma_wait3A_87] : memref<3x!tpu.dma_semaphore, #tpu.memory_space<semaphore_mem>> -> memref<1x!tpu.dma_semaphore, #tpu.memory_space<semaphore_mem>>
    %dma_wait3A_95 = tpu.memref_squeeze %dma_wait3A_94 : memref<1x!tpu.dma_semaphore, #tpu.memory_space<semaphore_mem>> -> memref<!tpu.dma_semaphore, #tpu.memory_space<semaphore_mem>>
    %dma_wait3A_96 = arith.constant 0 : i32
    %dma_wait3A_97 = arith.constant 0 : i32
    %dma_wait3A_98 = tpu.memref_slice %arg6[%dma_wait3A_86, %dma_wait3A_96, %dma_wait3A_97] : memref<3x64x512xf32, #tpu.memory_space<vmem>> -> memref<1x64x512xf32, #tpu.memory_space<vmem>>
    %dma_wait3A_99 = tpu.memref_squeeze %dma_wait3A_98 : memref<1x64x512xf32, #tpu.memory_space<vmem>> -> memref<64x512xf32, #tpu.memory_space<vmem>>
    %dma_wait3A_100 = arith.constant 0 : i32
    %dma_wait3A_101 = tpu.memref_slice %arg2[%add3A_21, %dma_wait3A_100] : memref<8192x512xf32, #tpu.memory_space<hbm>> -> memref<64x512xf32, #tpu.memory_space<hbm>>
    tpu.wait_dma2 semaphore(%dma_wait3A_95 : memref<!tpu.dma_semaphore, #tpu.memory_space<semaphore_mem>>) src(%dma_wait3A_101 : memref<64x512xf32, #tpu.memory_space<hbm>>) dst(%dma_wait3A_99 : memref<64x512xf32, #tpu.memory_space<vmem>>)
    %dma_start3A_102 = arith.constant 1 : i32
    %dma_start3A_103 = arith.constant 1 : i32
    %dma_start3A_104 = arith.constant 1 : i32
    %dma_start3A_105 = arith.constant 0 : i32
    %dma_start3A_106 = arith.constant 0 : i32
    %dma_start3A_107 = tpu.memref_slice %arg6[%dma_start3A_102, %dma_start3A_105, %dma_start3A_106] : memref<3x64x512xf32, #tpu.memory_space<vmem>> -> memref<1x64x512xf32, #tpu.memory_space<vmem>>
    %dma_start3A_108 = tpu.memref_squeeze %dma_start3A_107 : memref<1x64x512xf32, #tpu.memory_space<vmem>> -> memref<64x512xf32, #tpu.memory_space<vmem>>
    %dma_start3A_109 = arith.constant 0 : i32
    %dma_start3A_110 = tpu.memref_slice %arg5[%dma_start3A_103, %dma_start3A_109] : memref<4x64xi32, #tpu.memory_space<vmem>> -> memref<1x64xi32, #tpu.memory_space<vmem>>
    %dma_start3A_111 = tpu.memref_squeeze %dma_start3A_110 : memref<1x64xi32, #tpu.memory_space<vmem>> -> memref<64xi32, #tpu.memory_space<vmem>>
    %dma_start3A_112 = arith.constant 0 : i32
    %dma_start3A_113 = arith.constant 0 : i32
    %dma_start3A_114 = tpu.memref_slice %arg4[%dma_start3A_112, %dma_start3A_113] : memref<8192x512xf32, #tpu.memory_space<hbm>> -> memref<8192x512xf32, #tpu.memory_space<hbm>>
    %dma_start3A_115 = tpu.memref_slice %arg8[%dma_start3A_104] : memref<3x!tpu.dma_semaphore, #tpu.memory_space<semaphore_mem>> -> memref<1x!tpu.dma_semaphore, #tpu.memory_space<semaphore_mem>>
    %dma_start3A_116 = tpu.memref_squeeze %dma_start3A_115 : memref<1x!tpu.dma_semaphore, #tpu.memory_space<semaphore_mem>> -> memref<!tpu.dma_semaphore, #tpu.memory_space<semaphore_mem>>
    tpu.enqueue_indirect_dma source(%dma_start3A_108 : memref<64x512xf32, #tpu.memory_space<vmem>>) target(%dma_start3A_114 : memref<8192x512xf32, #tpu.memory_space<hbm>>) offsets(%dma_start3A_111 : memref<64xi32, #tpu.memory_space<vmem>>) semaphore(%dma_start3A_116 : memref<!tpu.dma_semaphore, #tpu.memory_space<semaphore_mem>>)
    %dma_wait3A_117 = arith.constant 0 : i32
    %dma_wait3A_118 = arith.constant 0 : i32
    %dma_wait3A_119 = arith.constant 0 : i32
    %dma_wait3A_120 = arith.constant 0 : i32
    %dma_wait3A_121 = arith.constant 0 : i32
    %dma_wait3A_122 = tpu.memref_slice %arg6[%dma_wait3A_117, %dma_wait3A_120, %dma_wait3A_121] : memref<3x64x512xf32, #tpu.memory_space<vmem>> -> memref<1x64x512xf32, #tpu.memory_space<vmem>>
    %dma_wait3A_123 = tpu.memref_squeeze %dma_wait3A_122 : memref<1x64x512xf32, #tpu.memory_space<vmem>> -> memref<64x512xf32, #tpu.memory_space<vmem>>
    %dma_wait3A_124 = arith.constant 0 : i32
    %dma_wait3A_125 = tpu.memref_slice %arg5[%dma_wait3A_118, %dma_wait3A_124] : memref<4x64xi32, #tpu.memory_space<vmem>> -> memref<1x64xi32, #tpu.memory_space<vmem>>
    %dma_wait3A_126 = tpu.memref_squeeze %dma_wait3A_125 : memref<1x64xi32, #tpu.memory_space<vmem>> -> memref<64xi32, #tpu.memory_space<vmem>>
    %dma_wait3A_127 = arith.constant 0 : i32
    %dma_wait3A_128 = arith.constant 0 : i32
    %dma_wait3A_129 = tpu.memref_slice %arg4[%dma_wait3A_127, %dma_wait3A_128] : memref<8192x512xf32, #tpu.memory_space<hbm>> -> memref<8192x512xf32, #tpu.memory_space<hbm>>
    %dma_wait3A_130 = tpu.memref_slice %arg8[%dma_wait3A_119] : memref<3x!tpu.dma_semaphore, #tpu.memory_space<semaphore_mem>> -> memref<1x!tpu.dma_semaphore, #tpu.memory_space<semaphore_mem>>
    %dma_wait3A_131 = tpu.memref_squeeze %dma_wait3A_130 : memref<1x!tpu.dma_semaphore, #tpu.memory_space<semaphore_mem>> -> memref<!tpu.dma_semaphore, #tpu.memory_space<semaphore_mem>>
    tpu.wait_indirect_dma semaphore(%dma_wait3A_131 : memref<!tpu.dma_semaphore, #tpu.memory_space<semaphore_mem>>) src(%dma_wait3A_123 : memref<64x512xf32, #tpu.memory_space<vmem>>) dst(%dma_wait3A_129 : memref<8192x512xf32, #tpu.memory_space<hbm>>)
    %add3A_132 = arith.constant 192 : i32
    %add3A_133 = arith.addi %mul3A_2, %add3A_132 : i32
    %dma_start3A_134 = arith.constant 0 : i32
    %dma_start3A_135 = arith.constant 0 : i32
    %dma_start3A_136 = arith.constant 0 : i32
    %dma_start3A_137 = arith.constant 0 : i32
    %dma_start3A_138 = tpu.memref_slice %arg6[%dma_start3A_134, %dma_start3A_136, %dma_start3A_137] : memref<3x64x512xf32, #tpu.memory_space<vmem>> -> memref<1x64x512xf32, #tpu.memory_space<vmem>>
    %dma_start3A_139 = tpu.memref_squeeze %dma_start3A_138 : memref<1x64x512xf32, #tpu.memory_space<vmem>> -> memref<64x512xf32, #tpu.memory_space<vmem>>
    %dma_start3A_140 = arith.constant 0 : i32
    %dma_start3A_141 = tpu.memref_slice %arg2[%add3A_133, %dma_start3A_140] : memref<8192x512xf32, #tpu.memory_space<hbm>> -> memref<64x512xf32, #tpu.memory_space<hbm>>
    %dma_start3A_142 = tpu.memref_slice %arg7[%dma_start3A_135] : memref<3x!tpu.dma_semaphore, #tpu.memory_space<semaphore_mem>> -> memref<1x!tpu.dma_semaphore, #tpu.memory_space<semaphore_mem>>
    %dma_start3A_143 = tpu.memref_squeeze %dma_start3A_142 : memref<1x!tpu.dma_semaphore, #tpu.memory_space<semaphore_mem>> -> memref<!tpu.dma_semaphore, #tpu.memory_space<semaphore_mem>>
    %dma_start3A_144 = arith.constant 0 : i32
    %dma_start3A_145 = arith.constant 0 : i32
    %dma_start3A_146 = tpu.memref_slice %arg6[%dma_start3A_134, %dma_start3A_144, %dma_start3A_145] : memref<3x64x512xf32, #tpu.memory_space<vmem>> -> memref<1x64x512xf32, #tpu.memory_space<vmem>>
    %dma_start3A_147 = tpu.memref_squeeze %dma_start3A_146 : memref<1x64x512xf32, #tpu.memory_space<vmem>> -> memref<64x512xf32, #tpu.memory_space<vmem>>
    %dma_start3A_148 = arith.constant 0 : i32
    %dma_start3A_149 = tpu.memref_slice %arg2[%add3A_133, %dma_start3A_148] : memref<8192x512xf32, #tpu.memory_space<hbm>> -> memref<64x512xf32, #tpu.memory_space<hbm>>
    tpu.enqueue_dma source(%dma_start3A_149 : memref<64x512xf32, #tpu.memory_space<hbm>>) target(%dma_start3A_147 : memref<64x512xf32, #tpu.memory_space<vmem>>) target_semaphore(%dma_start3A_143 : memref<!tpu.dma_semaphore, #tpu.memory_space<semaphore_mem>>)
    %dma_wait3A_150 = arith.constant 2 : i32
    %dma_wait3A_151 = arith.constant 2 : i32
    %dma_wait3A_152 = arith.constant 0 : i32
    %dma_wait3A_153 = arith.constant 0 : i32
    %dma_wait3A_154 = tpu.memref_slice %arg6[%dma_wait3A_150, %dma_wait3A_152, %dma_wait3A_153] : memref<3x64x512xf32, #tpu.memory_space<vmem>> -> memref<1x64x512xf32, #tpu.memory_space<vmem>>
    %dma_wait3A_155 = tpu.memref_squeeze %dma_wait3A_154 : memref<1x64x512xf32, #tpu.memory_space<vmem>> -> memref<64x512xf32, #tpu.memory_space<vmem>>
    %dma_wait3A_156 = arith.constant 0 : i32
    %dma_wait3A_157 = tpu.memref_slice %arg2[%add3A_69, %dma_wait3A_156] : memref<8192x512xf32, #tpu.memory_space<hbm>> -> memref<64x512xf32, #tpu.memory_space<hbm>>
    %dma_wait3A_158 = tpu.memref_slice %arg7[%dma_wait3A_151] : memref<3x!tpu.dma_semaphore, #tpu.memory_space<semaphore_mem>> -> memref<1x!tpu.dma_semaphore, #tpu.memory_space<semaphore_mem>>
    %dma_wait3A_159 = tpu.memref_squeeze %dma_wait3A_158 : memref<1x!tpu.dma_semaphore, #tpu.memory_space<semaphore_mem>> -> memref<!tpu.dma_semaphore, #tpu.memory_space<semaphore_mem>>
    %dma_wait3A_160 = arith.constant 0 : i32
    %dma_wait3A_161 = arith.constant 0 : i32
    %dma_wait3A_162 = tpu.memref_slice %arg6[%dma_wait3A_150, %dma_wait3A_160, %dma_wait3A_161] : memref<3x64x512xf32, #tpu.memory_space<vmem>> -> memref<1x64x512xf32, #tpu.memory_space<vmem>>
    %dma_wait3A_163 = tpu.memref_squeeze %dma_wait3A_162 : memref<1x64x512xf32, #tpu.memory_space<vmem>> -> memref<64x512xf32, #tpu.memory_space<vmem>>
    %dma_wait3A_164 = arith.constant 0 : i32
    %dma_wait3A_165 = tpu.memref_slice %arg2[%add3A_69, %dma_wait3A_164] : memref<8192x512xf32, #tpu.memory_space<hbm>> -> memref<64x512xf32, #tpu.memory_space<hbm>>
    tpu.wait_dma2 semaphore(%dma_wait3A_159 : memref<!tpu.dma_semaphore, #tpu.memory_space<semaphore_mem>>) src(%dma_wait3A_165 : memref<64x512xf32, #tpu.memory_space<hbm>>) dst(%dma_wait3A_163 : memref<64x512xf32, #tpu.memory_space<vmem>>)
    %dma_start3A_166 = arith.constant 2 : i32
    %dma_start3A_167 = arith.constant 2 : i32
    %dma_start3A_168 = arith.constant 2 : i32
    %dma_start3A_169 = arith.constant 0 : i32
    %dma_start3A_170 = arith.constant 0 : i32
    %dma_start3A_171 = tpu.memref_slice %arg6[%dma_start3A_166, %dma_start3A_169, %dma_start3A_170] : memref<3x64x512xf32, #tpu.memory_space<vmem>> -> memref<1x64x512xf32, #tpu.memory_space<vmem>>
    %dma_start3A_172 = tpu.memref_squeeze %dma_start3A_171 : memref<1x64x512xf32, #tpu.memory_space<vmem>> -> memref<64x512xf32, #tpu.memory_space<vmem>>
    %dma_start3A_173 = arith.constant 0 : i32
    %dma_start3A_174 = tpu.memref_slice %arg5[%dma_start3A_167, %dma_start3A_173] : memref<4x64xi32, #tpu.memory_space<vmem>> -> memref<1x64xi32, #tpu.memory_space<vmem>>
    %dma_start3A_175 = tpu.memref_squeeze %dma_start3A_174 : memref<1x64xi32, #tpu.memory_space<vmem>> -> memref<64xi32, #tpu.memory_space<vmem>>
    %dma_start3A_176 = arith.constant 0 : i32
    %dma_start3A_177 = arith.constant 0 : i32
    %dma_start3A_178 = tpu.memref_slice %arg4[%dma_start3A_176, %dma_start3A_177] : memref<8192x512xf32, #tpu.memory_space<hbm>> -> memref<8192x512xf32, #tpu.memory_space<hbm>>
    %dma_start3A_179 = tpu.memref_slice %arg8[%dma_start3A_168] : memref<3x!tpu.dma_semaphore, #tpu.memory_space<semaphore_mem>> -> memref<1x!tpu.dma_semaphore, #tpu.memory_space<semaphore_mem>>
    %dma_start3A_180 = tpu.memref_squeeze %dma_start3A_179 : memref<1x!tpu.dma_semaphore, #tpu.memory_space<semaphore_mem>> -> memref<!tpu.dma_semaphore, #tpu.memory_space<semaphore_mem>>
    tpu.enqueue_indirect_dma source(%dma_start3A_172 : memref<64x512xf32, #tpu.memory_space<vmem>>) target(%dma_start3A_178 : memref<8192x512xf32, #tpu.memory_space<hbm>>) offsets(%dma_start3A_175 : memref<64xi32, #tpu.memory_space<vmem>>) semaphore(%dma_start3A_180 : memref<!tpu.dma_semaphore, #tpu.memory_space<semaphore_mem>>)
    %dma_wait3A_181 = arith.constant 0 : i32
    %dma_wait3A_182 = arith.constant 0 : i32
    %dma_wait3A_183 = arith.constant 0 : i32
    %dma_wait3A_184 = arith.constant 0 : i32
    %dma_wait3A_185 = tpu.memref_slice %arg6[%dma_wait3A_181, %dma_wait3A_183, %dma_wait3A_184] : memref<3x64x512xf32, #tpu.memory_space<vmem>> -> memref<1x64x512xf32, #tpu.memory_space<vmem>>
    %dma_wait3A_186 = tpu.memref_squeeze %dma_wait3A_185 : memref<1x64x512xf32, #tpu.memory_space<vmem>> -> memref<64x512xf32, #tpu.memory_space<vmem>>
    %dma_wait3A_187 = arith.constant 0 : i32
    %dma_wait3A_188 = tpu.memref_slice %arg2[%add3A_133, %dma_wait3A_187] : memref<8192x512xf32, #tpu.memory_space<hbm>> -> memref<64x512xf32, #tpu.memory_space<hbm>>
    %dma_wait3A_189 = tpu.memref_slice %arg7[%dma_wait3A_182] : memref<3x!tpu.dma_semaphore, #tpu.memory_space<semaphore_mem>> -> memref<1x!tpu.dma_semaphore, #tpu.memory_space<semaphore_mem>>
    %dma_wait3A_190 = tpu.memref_squeeze %dma_wait3A_189 : memref<1x!tpu.dma_semaphore, #tpu.memory_space<semaphore_mem>> -> memref<!tpu.dma_semaphore, #tpu.memory_space<semaphore_mem>>
    %dma_wait3A_191 = arith.constant 0 : i32
    %dma_wait3A_192 = arith.constant 0 : i32
    %dma_wait3A_193 = tpu.memref_slice %arg6[%dma_wait3A_181, %dma_wait3A_191, %dma_wait3A_192] : memref<3x64x512xf32, #tpu.memory_space<vmem>> -> memref<1x64x512xf32, #tpu.memory_space<vmem>>
    %dma_wait3A_194 = tpu.memref_squeeze %dma_wait3A_193 : memref<1x64x512xf32, #tpu.memory_space<vmem>> -> memref<64x512xf32, #tpu.memory_space<vmem>>
    %dma_wait3A_195 = arith.constant 0 : i32
    %dma_wait3A_196 = tpu.memref_slice %arg2[%add3A_133, %dma_wait3A_195] : memref<8192x512xf32, #tpu.memory_space<hbm>> -> memref<64x512xf32, #tpu.memory_space<hbm>>
    tpu.wait_dma2 semaphore(%dma_wait3A_190 : memref<!tpu.dma_semaphore, #tpu.memory_space<semaphore_mem>>) src(%dma_wait3A_196 : memref<64x512xf32, #tpu.memory_space<hbm>>) dst(%dma_wait3A_194 : memref<64x512xf32, #tpu.memory_space<vmem>>)
    %dma_start3A_197 = arith.constant 0 : i32
    %dma_start3A_198 = arith.constant 3 : i32
    %dma_start3A_199 = arith.constant 0 : i32
    %dma_start3A_200 = arith.constant 0 : i32
    %dma_start3A_201 = arith.constant 0 : i32
    %dma_start3A_202 = tpu.memref_slice %arg6[%dma_start3A_197, %dma_start3A_200, %dma_start3A_201] : memref<3x64x512xf32, #tpu.memory_space<vmem>> -> memref<1x64x512xf32, #tpu.memory_space<vmem>>
    %dma_start3A_203 = tpu.memref_squeeze %dma_start3A_202 : memref<1x64x512xf32, #tpu.memory_space<vmem>> -> memref<64x512xf32, #tpu.memory_space<vmem>>
    %dma_start3A_204 = arith.constant 0 : i32
    %dma_start3A_205 = tpu.memref_slice %arg5[%dma_start3A_198, %dma_start3A_204] : memref<4x64xi32, #tpu.memory_space<vmem>> -> memref<1x64xi32, #tpu.memory_space<vmem>>
    %dma_start3A_206 = tpu.memref_squeeze %dma_start3A_205 : memref<1x64xi32, #tpu.memory_space<vmem>> -> memref<64xi32, #tpu.memory_space<vmem>>
    %dma_start3A_207 = arith.constant 0 : i32
    %dma_start3A_208 = arith.constant 0 : i32
    %dma_start3A_209 = tpu.memref_slice %arg4[%dma_start3A_207, %dma_start3A_208] : memref<8192x512xf32, #tpu.memory_space<hbm>> -> memref<8192x512xf32, #tpu.memory_space<hbm>>
    %dma_start3A_210 = tpu.memref_slice %arg8[%dma_start3A_199] : memref<3x!tpu.dma_semaphore, #tpu.memory_space<semaphore_mem>> -> memref<1x!tpu.dma_semaphore, #tpu.memory_space<semaphore_mem>>
    %dma_start3A_211 = tpu.memref_squeeze %dma_start3A_210 : memref<1x!tpu.dma_semaphore, #tpu.memory_space<semaphore_mem>> -> memref<!tpu.dma_semaphore, #tpu.memory_space<semaphore_mem>>
    tpu.enqueue_indirect_dma source(%dma_start3A_203 : memref<64x512xf32, #tpu.memory_space<vmem>>) target(%dma_start3A_209 : memref<8192x512xf32, #tpu.memory_space<hbm>>) offsets(%dma_start3A_206 : memref<64xi32, #tpu.memory_space<vmem>>) semaphore(%dma_start3A_211 : memref<!tpu.dma_semaphore, #tpu.memory_space<semaphore_mem>>)
    %dma_wait3A_212 = arith.constant 1 : i32
    %dma_wait3A_213 = arith.constant 1 : i32
    %dma_wait3A_214 = arith.constant 1 : i32
    %dma_wait3A_215 = arith.constant 0 : i32
    %dma_wait3A_216 = arith.constant 0 : i32
    %dma_wait3A_217 = tpu.memref_slice %arg6[%dma_wait3A_212, %dma_wait3A_215, %dma_wait3A_216] : memref<3x64x512xf32, #tpu.memory_space<vmem>> -> memref<1x64x512xf32, #tpu.memory_space<vmem>>
    %dma_wait3A_218 = tpu.memref_squeeze %dma_wait3A_217 : memref<1x64x512xf32, #tpu.memory_space<vmem>> -> memref<64x512xf32, #tpu.memory_space<vmem>>
    %dma_wait3A_219 = arith.constant 0 : i32
    %dma_wait3A_220 = tpu.memref_slice %arg5[%dma_wait3A_213, %dma_wait3A_219] : memref<4x64xi32, #tpu.memory_space<vmem>> -> memref<1x64xi32, #tpu.memory_space<vmem>>
    %dma_wait3A_221 = tpu.memref_squeeze %dma_wait3A_220 : memref<1x64xi32, #tpu.memory_space<vmem>> -> memref<64xi32, #tpu.memory_space<vmem>>
    %dma_wait3A_222 = arith.constant 0 : i32
    %dma_wait3A_223 = arith.constant 0 : i32
    %dma_wait3A_224 = tpu.memref_slice %arg4[%dma_wait3A_222, %dma_wait3A_223] : memref<8192x512xf32, #tpu.memory_space<hbm>> -> memref<8192x512xf32, #tpu.memory_space<hbm>>
    %dma_wait3A_225 = tpu.memref_slice %arg8[%dma_wait3A_214] : memref<3x!tpu.dma_semaphore, #tpu.memory_space<semaphore_mem>> -> memref<1x!tpu.dma_semaphore, #tpu.memory_space<semaphore_mem>>
    %dma_wait3A_226 = tpu.memref_squeeze %dma_wait3A_225 : memref<1x!tpu.dma_semaphore, #tpu.memory_space<semaphore_mem>> -> memref<!tpu.dma_semaphore, #tpu.memory_space<semaphore_mem>>
    tpu.wait_indirect_dma semaphore(%dma_wait3A_226 : memref<!tpu.dma_semaphore, #tpu.memory_space<semaphore_mem>>) src(%dma_wait3A_218 : memref<64x512xf32, #tpu.memory_space<vmem>>) dst(%dma_wait3A_224 : memref<8192x512xf32, #tpu.memory_space<hbm>>)
    %dma_wait3A_227 = arith.constant 2 : i32
    %dma_wait3A_228 = arith.constant 2 : i32
    %dma_wait3A_229 = arith.constant 2 : i32
    %dma_wait3A_230 = arith.constant 0 : i32
    %dma_wait3A_231 = arith.constant 0 : i32
    %dma_wait3A_232 = tpu.memref_slice %arg6[%dma_wait3A_227, %dma_wait3A_230, %dma_wait3A_231] : memref<3x64x512xf32, #tpu.memory_space<vmem>> -> memref<1x64x512xf32, #tpu.memory_space<vmem>>
    %dma_wait3A_233 = tpu.memref_squeeze %dma_wait3A_232 : memref<1x64x512xf32, #tpu.memory_space<vmem>> -> memref<64x512xf32, #tpu.memory_space<vmem>>
    %dma_wait3A_234 = arith.constant 0 : i32
    %dma_wait3A_235 = tpu.memref_slice %arg5[%dma_wait3A_228, %dma_wait3A_234] : memref<4x64xi32, #tpu.memory_space<vmem>> -> memref<1x64xi32, #tpu.memory_space<vmem>>
    %dma_wait3A_236 = tpu.memref_squeeze %dma_wait3A_235 : memref<1x64xi32, #tpu.memory_space<vmem>> -> memref<64xi32, #tpu.memory_space<vmem>>
    %dma_wait3A_237 = arith.constant 0 : i32
    %dma_wait3A_238 = arith.constant 0 : i32
    %dma_wait3A_239 = tpu.memref_slice %arg4[%dma_wait3A_237, %dma_wait3A_238] : memref<8192x512xf32, #tpu.memory_space<hbm>> -> memref<8192x512xf32, #tpu.memory_space<hbm>>
    %dma_wait3A_240 = tpu.memref_slice %arg8[%dma_wait3A_229] : memref<3x!tpu.dma_semaphore, #tpu.memory_space<semaphore_mem>> -> memref<1x!tpu.dma_semaphore, #tpu.memory_space<semaphore_mem>>
    %dma_wait3A_241 = tpu.memref_squeeze %dma_wait3A_240 : memref<1x!tpu.dma_semaphore, #tpu.memory_space<semaphore_mem>> -> memref<!tpu.dma_semaphore, #tpu.memory_space<semaphore_mem>>
    tpu.wait_indirect_dma semaphore(%dma_wait3A_241 : memref<!tpu.dma_semaphore, #tpu.memory_space<semaphore_mem>>) src(%dma_wait3A_233 : memref<64x512xf32, #tpu.memory_space<vmem>>) dst(%dma_wait3A_239 : memref<8192x512xf32, #tpu.memory_space<hbm>>)
    %dma_wait3A_242 = arith.constant 0 : i32
    %dma_wait3A_243 = arith.constant 3 : i32
    %dma_wait3A_244 = arith.constant 0 : i32
    %dma_wait3A_245 = arith.constant 0 : i32
    %dma_wait3A_246 = arith.constant 0 : i32
    %dma_wait3A_247 = tpu.memref_slice %arg6[%dma_wait3A_242, %dma_wait3A_245, %dma_wait3A_246] : memref<3x64x512xf32, #tpu.memory_space<vmem>> -> memref<1x64x512xf32, #tpu.memory_space<vmem>>
    %dma_wait3A_248 = tpu.memref_squeeze %dma_wait3A_247 : memref<1x64x512xf32, #tpu.memory_space<vmem>> -> memref<64x512xf32, #tpu.memory_space<vmem>>
    %dma_wait3A_249 = arith.constant 0 : i32
    %dma_wait3A_250 = tpu.memref_slice %arg5[%dma_wait3A_243, %dma_wait3A_249] : memref<4x64xi32, #tpu.memory_space<vmem>> -> memref<1x64xi32, #tpu.memory_space<vmem>>
    %dma_wait3A_251 = tpu.memref_squeeze %dma_wait3A_250 : memref<1x64xi32, #tpu.memory_space<vmem>> -> memref<64xi32, #tpu.memory_space<vmem>>
    %dma_wait3A_252 = arith.constant 0 : i32
    %dma_wait3A_253 = arith.constant 0 : i32
    %dma_wait3A_254 = tpu.memref_slice %arg4[%dma_wait3A_252, %dma_wait3A_253] : memref<8192x512xf32, #tpu.memory_space<hbm>> -> memref<8192x512xf32, #tpu.memory_space<hbm>>
    %dma_wait3A_255 = tpu.memref_slice %arg8[%dma_wait3A_244] : memref<3x!tpu.dma_semaphore, #tpu.memory_space<semaphore_mem>> -> memref<1x!tpu.dma_semaphore, #tpu.memory_space<semaphore_mem>>
    %dma_wait3A_256 = tpu.memref_squeeze %dma_wait3A_255 : memref<1x!tpu.dma_semaphore, #tpu.memory_space<semaphore_mem>> -> memref<!tpu.dma_semaphore, #tpu.memory_space<semaphore_mem>>
    tpu.wait_indirect_dma semaphore(%dma_wait3A_256 : memref<!tpu.dma_semaphore, #tpu.memory_space<semaphore_mem>>) src(%dma_wait3A_248 : memref<64x512xf32, #tpu.memory_space<vmem>>) dst(%dma_wait3A_254 : memref<8192x512xf32, #tpu.memory_space<hbm>>)
    return
  }
}

#map = affine_map<(d0, d1) -> (0, 0)>
#map1 = affine_map<(d0, d1) -> (0, 0, 0)>
module attributes {stable_mosaic.version = 14 : i64} {
  func.func @permute_k(%arg0: i32, %arg1: i32, %arg2: memref<8192x512xf32, #tpu.memory_space<hbm>>, %arg3: memref<32x4x64xi32, #tpu.memory_space<hbm>>, %arg4: memref<8192x512xf32, #tpu.memory_space<hbm>>, %arg5: memref<4x64xi32, #tpu.memory_space<vmem>>, %arg6: memref<3x64x512xf32, #tpu.memory_space<vmem>>, %arg7: memref<3x!tpu.dma_semaphore, #tpu.memory_space<semaphore_mem>>, %arg8: memref<3x!tpu.dma_semaphore, #tpu.memory_space<semaphore_mem>>) attributes {dimension_semantics = [#tpu.dimension_semantics<core_parallel>, #tpu.dimension_semantics<subcore_parallel>], iteration_bounds = array<i64: 2, 16>, scalar_prefetch = 0 : i64, scratch_operands = 4 : i64, tpu.core_type = #tpu.core_type<sc_vector_subcore>, window_params = [{transform_indices = #map}, {transform_indices = #map1}, {transform_indices = #map}]} {
    %mul3A = arith.constant 2 : i32
    %mul3A_0 = arith.muli %arg1, %mul3A : i32
    %add3A = arith.addi %mul3A_0, %arg0 : i32
    %mul3A_1 = arith.constant 256 : i32
    %mul3A_2 = arith.muli %add3A, %mul3A_1 : i32
    "tpu.region"() ({
      %run_scoped3A = tpu.sem_alloc : memref<!tpu.dma_semaphore, #tpu.memory_space<semaphore_mem>>
      %dma_start3A_257 = arith.constant 0 : i32
      %dma_start3A_258 = arith.constant 0 : i32
      %dma_start3A_259 = tpu.memref_slice %arg3[%add3A, %dma_start3A_257, %dma_start3A_258] : memref<32x4x64xi32, #tpu.memory_space<hbm>> -> memref<1x4x64xi32, #tpu.memory_space<hbm>>
      %dma_start3A_260 = tpu.memref_squeeze %dma_start3A_259 : memref<1x4x64xi32, #tpu.memory_space<hbm>> -> memref<4x64xi32, #tpu.memory_space<hbm>>
      %dma_start3A_261 = arith.constant 0 : i32
      %dma_start3A_262 = arith.constant 0 : i32
      %dma_start3A_263 = tpu.memref_slice %arg3[%add3A, %dma_start3A_261, %dma_start3A_262] : memref<32x4x64xi32, #tpu.memory_space<hbm>> -> memref<1x4x64xi32, #tpu.memory_space<hbm>>
      %dma_start3A_264 = tpu.memref_squeeze %dma_start3A_263 : memref<1x4x64xi32, #tpu.memory_space<hbm>> -> memref<4x64xi32, #tpu.memory_space<hbm>>
      tpu.enqueue_dma source(%dma_start3A_264 : memref<4x64xi32, #tpu.memory_space<hbm>>) target(%arg5 : memref<4x64xi32, #tpu.memory_space<vmem>>) target_semaphore(%run_scoped3A : memref<!tpu.dma_semaphore, #tpu.memory_space<semaphore_mem>>)
      %dma_wait3A_265 = arith.constant 0 : i32
      %dma_wait3A_266 = arith.constant 0 : i32
      %dma_wait3A_267 = tpu.memref_slice %arg3[%add3A, %dma_wait3A_265, %dma_wait3A_266] : memref<32x4x64xi32, #tpu.memory_space<hbm>> -> memref<1x4x64xi32, #tpu.memory_space<hbm>>
      %dma_wait3A_268 = tpu.memref_squeeze %dma_wait3A_267 : memref<1x4x64xi32, #tpu.memory_space<hbm>> -> memref<4x64xi32, #tpu.memory_space<hbm>>
      %dma_wait3A_269 = arith.constant 0 : i32
      %dma_wait3A_270 = arith.constant 0 : i32
      %dma_wait3A_271 = tpu.memref_slice %arg3[%add3A, %dma_wait3A_269, %dma_wait3A_270] : memref<32x4x64xi32, #tpu.memory_space<hbm>> -> memref<1x4x64xi32, #tpu.memory_space<hbm>>
      %dma_wait3A_272 = tpu.memref_squeeze %dma_wait3A_271 : memref<1x4x64xi32, #tpu.memory_space<hbm>> -> memref<4x64xi32, #tpu.memory_space<hbm>>
      tpu.wait_dma2 semaphore(%run_scoped3A : memref<!tpu.dma_semaphore, #tpu.memory_space<semaphore_mem>>) src(%dma_wait3A_272 : memref<4x64xi32, #tpu.memory_space<hbm>>) dst(%arg5 : memref<4x64xi32, #tpu.memory_space<vmem>>)
      tpu.yield
    }) : () -> ()
    %dma_start3A = arith.constant 0 : i32
    %dma_start3A_3 = arith.constant 0 : i32
    %dma_start3A_4 = arith.constant 0 : i32
    %dma_start3A_5 = arith.constant 0 : i32
    %dma_start3A_6 = arith.constant 0 : i32
    %dma_start3A_7 = tpu.memref_slice %arg6[%dma_start3A_3, %dma_start3A_5, %dma_start3A_6] : memref<3x64x512xf32, #tpu.memory_space<vmem>> -> memref<1x64x512xf32, #tpu.memory_space<vmem>>
    %dma_start3A_8 = tpu.memref_squeeze %dma_start3A_7 : memref<1x64x512xf32, #tpu.memory_space<vmem>> -> memref<64x512xf32, #tpu.memory_space<vmem>>
    %dma_start3A_9 = arith.constant 0 : i32
    %dma_start3A_10 = tpu.memref_slice %arg5[%dma_start3A, %dma_start3A_9] : memref<4x64xi32, #tpu.memory_space<vmem>> -> memref<1x64xi32, #tpu.memory_space<vmem>>
    %dma_start3A_11 = tpu.memref_squeeze %dma_start3A_10 : memref<1x64xi32, #tpu.memory_space<vmem>> -> memref<64xi32, #tpu.memory_space<vmem>>
    %dma_start3A_12 = arith.constant 0 : i32
    %dma_start3A_13 = arith.constant 0 : i32
    %dma_start3A_14 = tpu.memref_slice %arg2[%dma_start3A_12, %dma_start3A_13] : memref<8192x512xf32, #tpu.memory_space<hbm>> -> memref<8192x512xf32, #tpu.memory_space<hbm>>
    %dma_start3A_15 = tpu.memref_slice %arg7[%dma_start3A_4] : memref<3x!tpu.dma_semaphore, #tpu.memory_space<semaphore_mem>> -> memref<1x!tpu.dma_semaphore, #tpu.memory_space<semaphore_mem>>
    %dma_start3A_16 = tpu.memref_squeeze %dma_start3A_15 : memref<1x!tpu.dma_semaphore, #tpu.memory_space<semaphore_mem>> -> memref<!tpu.dma_semaphore, #tpu.memory_space<semaphore_mem>>
    tpu.enqueue_indirect_dma source(%dma_start3A_14 : memref<8192x512xf32, #tpu.memory_space<hbm>>) target(%dma_start3A_8 : memref<64x512xf32, #tpu.memory_space<vmem>>) offsets(%dma_start3A_11 : memref<64xi32, #tpu.memory_space<vmem>>) semaphore(%dma_start3A_16 : memref<!tpu.dma_semaphore, #tpu.memory_space<semaphore_mem>>)
    %dma_start3A_17 = arith.constant 1 : i32
    %dma_start3A_18 = arith.constant 1 : i32
    %dma_start3A_19 = arith.constant 1 : i32
    %dma_start3A_20 = arith.constant 0 : i32
    %dma_start3A_21 = arith.constant 0 : i32
    %dma_start3A_22 = tpu.memref_slice %arg6[%dma_start3A_18, %dma_start3A_20, %dma_start3A_21] : memref<3x64x512xf32, #tpu.memory_space<vmem>> -> memref<1x64x512xf32, #tpu.memory_space<vmem>>
    %dma_start3A_23 = tpu.memref_squeeze %dma_start3A_22 : memref<1x64x512xf32, #tpu.memory_space<vmem>> -> memref<64x512xf32, #tpu.memory_space<vmem>>
    %dma_start3A_24 = arith.constant 0 : i32
    %dma_start3A_25 = tpu.memref_slice %arg5[%dma_start3A_17, %dma_start3A_24] : memref<4x64xi32, #tpu.memory_space<vmem>> -> memref<1x64xi32, #tpu.memory_space<vmem>>
    %dma_start3A_26 = tpu.memref_squeeze %dma_start3A_25 : memref<1x64xi32, #tpu.memory_space<vmem>> -> memref<64xi32, #tpu.memory_space<vmem>>
    %dma_start3A_27 = arith.constant 0 : i32
    %dma_start3A_28 = arith.constant 0 : i32
    %dma_start3A_29 = tpu.memref_slice %arg2[%dma_start3A_27, %dma_start3A_28] : memref<8192x512xf32, #tpu.memory_space<hbm>> -> memref<8192x512xf32, #tpu.memory_space<hbm>>
    %dma_start3A_30 = tpu.memref_slice %arg7[%dma_start3A_19] : memref<3x!tpu.dma_semaphore, #tpu.memory_space<semaphore_mem>> -> memref<1x!tpu.dma_semaphore, #tpu.memory_space<semaphore_mem>>
    %dma_start3A_31 = tpu.memref_squeeze %dma_start3A_30 : memref<1x!tpu.dma_semaphore, #tpu.memory_space<semaphore_mem>> -> memref<!tpu.dma_semaphore, #tpu.memory_space<semaphore_mem>>
    tpu.enqueue_indirect_dma source(%dma_start3A_29 : memref<8192x512xf32, #tpu.memory_space<hbm>>) target(%dma_start3A_23 : memref<64x512xf32, #tpu.memory_space<vmem>>) offsets(%dma_start3A_26 : memref<64xi32, #tpu.memory_space<vmem>>) semaphore(%dma_start3A_31 : memref<!tpu.dma_semaphore, #tpu.memory_space<semaphore_mem>>)
    %dma_wait3A = arith.constant 0 : i32
    %dma_wait3A_32 = arith.constant 0 : i32
    %dma_wait3A_33 = arith.constant 0 : i32
    %dma_wait3A_34 = arith.constant 0 : i32
    %dma_wait3A_35 = arith.constant 0 : i32
    %dma_wait3A_36 = tpu.memref_slice %arg6[%dma_wait3A_32, %dma_wait3A_34, %dma_wait3A_35] : memref<3x64x512xf32, #tpu.memory_space<vmem>> -> memref<1x64x512xf32, #tpu.memory_space<vmem>>
    %dma_wait3A_37 = tpu.memref_squeeze %dma_wait3A_36 : memref<1x64x512xf32, #tpu.memory_space<vmem>> -> memref<64x512xf32, #tpu.memory_space<vmem>>
    %dma_wait3A_38 = arith.constant 0 : i32
    %dma_wait3A_39 = tpu.memref_slice %arg5[%dma_wait3A, %dma_wait3A_38] : memref<4x64xi32, #tpu.memory_space<vmem>> -> memref<1x64xi32, #tpu.memory_space<vmem>>
    %dma_wait3A_40 = tpu.memref_squeeze %dma_wait3A_39 : memref<1x64xi32, #tpu.memory_space<vmem>> -> memref<64xi32, #tpu.memory_space<vmem>>
    %dma_wait3A_41 = arith.constant 0 : i32
    %dma_wait3A_42 = arith.constant 0 : i32
    %dma_wait3A_43 = tpu.memref_slice %arg2[%dma_wait3A_41, %dma_wait3A_42] : memref<8192x512xf32, #tpu.memory_space<hbm>> -> memref<8192x512xf32, #tpu.memory_space<hbm>>
    %dma_wait3A_44 = tpu.memref_slice %arg7[%dma_wait3A_33] : memref<3x!tpu.dma_semaphore, #tpu.memory_space<semaphore_mem>> -> memref<1x!tpu.dma_semaphore, #tpu.memory_space<semaphore_mem>>
    %dma_wait3A_45 = tpu.memref_squeeze %dma_wait3A_44 : memref<1x!tpu.dma_semaphore, #tpu.memory_space<semaphore_mem>> -> memref<!tpu.dma_semaphore, #tpu.memory_space<semaphore_mem>>
    tpu.wait_indirect_dma semaphore(%dma_wait3A_45 : memref<!tpu.dma_semaphore, #tpu.memory_space<semaphore_mem>>) src(%dma_wait3A_43 : memref<8192x512xf32, #tpu.memory_space<hbm>>) dst(%dma_wait3A_37 : memref<64x512xf32, #tpu.memory_space<vmem>>)
    %add3A_46 = arith.constant 0 : i32
    %add3A_47 = arith.addi %mul3A_2, %add3A_46 : i32
    %dma_start3A_48 = arith.constant 0 : i32
    %dma_start3A_49 = arith.constant 0 : i32
    %dma_start3A_50 = arith.constant 0 : i32
    %dma_start3A_51 = arith.constant 0 : i32
    %dma_start3A_52 = tpu.memref_slice %arg6[%dma_start3A_48, %dma_start3A_50, %dma_start3A_51] : memref<3x64x512xf32, #tpu.memory_space<vmem>> -> memref<1x64x512xf32, #tpu.memory_space<vmem>>
    %dma_start3A_53 = tpu.memref_squeeze %dma_start3A_52 : memref<1x64x512xf32, #tpu.memory_space<vmem>> -> memref<64x512xf32, #tpu.memory_space<vmem>>
    %dma_start3A_54 = arith.constant 0 : i32
    %dma_start3A_55 = tpu.memref_slice %arg4[%add3A_47, %dma_start3A_54] : memref<8192x512xf32, #tpu.memory_space<hbm>> -> memref<64x512xf32, #tpu.memory_space<hbm>>
    %dma_start3A_56 = tpu.memref_slice %arg8[%dma_start3A_49] : memref<3x!tpu.dma_semaphore, #tpu.memory_space<semaphore_mem>> -> memref<1x!tpu.dma_semaphore, #tpu.memory_space<semaphore_mem>>
    %dma_start3A_57 = tpu.memref_squeeze %dma_start3A_56 : memref<1x!tpu.dma_semaphore, #tpu.memory_space<semaphore_mem>> -> memref<!tpu.dma_semaphore, #tpu.memory_space<semaphore_mem>>
    %dma_start3A_58 = arith.constant 0 : i32
    %dma_start3A_59 = tpu.memref_slice %arg4[%add3A_47, %dma_start3A_58] : memref<8192x512xf32, #tpu.memory_space<hbm>> -> memref<64x512xf32, #tpu.memory_space<hbm>>
    %dma_start3A_60 = arith.constant 0 : i32
    %dma_start3A_61 = arith.constant 0 : i32
    %dma_start3A_62 = tpu.memref_slice %arg6[%dma_start3A_48, %dma_start3A_60, %dma_start3A_61] : memref<3x64x512xf32, #tpu.memory_space<vmem>> -> memref<1x64x512xf32, #tpu.memory_space<vmem>>
    %dma_start3A_63 = tpu.memref_squeeze %dma_start3A_62 : memref<1x64x512xf32, #tpu.memory_space<vmem>> -> memref<64x512xf32, #tpu.memory_space<vmem>>
    tpu.enqueue_dma source(%dma_start3A_63 : memref<64x512xf32, #tpu.memory_space<vmem>>) target(%dma_start3A_59 : memref<64x512xf32, #tpu.memory_space<hbm>>) target_semaphore(%dma_start3A_57 : memref<!tpu.dma_semaphore, #tpu.memory_space<semaphore_mem>>)
    %dma_start3A_64 = arith.constant 2 : i32
    %dma_start3A_65 = arith.constant 2 : i32
    %dma_start3A_66 = arith.constant 2 : i32
    %dma_start3A_67 = arith.constant 0 : i32
    %dma_start3A_68 = arith.constant 0 : i32
    %dma_start3A_69 = tpu.memref_slice %arg6[%dma_start3A_65, %dma_start3A_67, %dma_start3A_68] : memref<3x64x512xf32, #tpu.memory_space<vmem>> -> memref<1x64x512xf32, #tpu.memory_space<vmem>>
    %dma_start3A_70 = tpu.memref_squeeze %dma_start3A_69 : memref<1x64x512xf32, #tpu.memory_space<vmem>> -> memref<64x512xf32, #tpu.memory_space<vmem>>
    %dma_start3A_71 = arith.constant 0 : i32
    %dma_start3A_72 = tpu.memref_slice %arg5[%dma_start3A_64, %dma_start3A_71] : memref<4x64xi32, #tpu.memory_space<vmem>> -> memref<1x64xi32, #tpu.memory_space<vmem>>
    %dma_start3A_73 = tpu.memref_squeeze %dma_start3A_72 : memref<1x64xi32, #tpu.memory_space<vmem>> -> memref<64xi32, #tpu.memory_space<vmem>>
    %dma_start3A_74 = arith.constant 0 : i32
    %dma_start3A_75 = arith.constant 0 : i32
    %dma_start3A_76 = tpu.memref_slice %arg2[%dma_start3A_74, %dma_start3A_75] : memref<8192x512xf32, #tpu.memory_space<hbm>> -> memref<8192x512xf32, #tpu.memory_space<hbm>>
    %dma_start3A_77 = tpu.memref_slice %arg7[%dma_start3A_66] : memref<3x!tpu.dma_semaphore, #tpu.memory_space<semaphore_mem>> -> memref<1x!tpu.dma_semaphore, #tpu.memory_space<semaphore_mem>>
    %dma_start3A_78 = tpu.memref_squeeze %dma_start3A_77 : memref<1x!tpu.dma_semaphore, #tpu.memory_space<semaphore_mem>> -> memref<!tpu.dma_semaphore, #tpu.memory_space<semaphore_mem>>
    tpu.enqueue_indirect_dma source(%dma_start3A_76 : memref<8192x512xf32, #tpu.memory_space<hbm>>) target(%dma_start3A_70 : memref<64x512xf32, #tpu.memory_space<vmem>>) offsets(%dma_start3A_73 : memref<64xi32, #tpu.memory_space<vmem>>) semaphore(%dma_start3A_78 : memref<!tpu.dma_semaphore, #tpu.memory_space<semaphore_mem>>)
    %dma_wait3A_79 = arith.constant 1 : i32
    %dma_wait3A_80 = arith.constant 1 : i32
    %dma_wait3A_81 = arith.constant 1 : i32
    %dma_wait3A_82 = arith.constant 0 : i32
    %dma_wait3A_83 = arith.constant 0 : i32
    %dma_wait3A_84 = tpu.memref_slice %arg6[%dma_wait3A_80, %dma_wait3A_82, %dma_wait3A_83] : memref<3x64x512xf32, #tpu.memory_space<vmem>> -> memref<1x64x512xf32, #tpu.memory_space<vmem>>
    %dma_wait3A_85 = tpu.memref_squeeze %dma_wait3A_84 : memref<1x64x512xf32, #tpu.memory_space<vmem>> -> memref<64x512xf32, #tpu.memory_space<vmem>>
    %dma_wait3A_86 = arith.constant 0 : i32
    %dma_wait3A_87 = tpu.memref_slice %arg5[%dma_wait3A_79, %dma_wait3A_86] : memref<4x64xi32, #tpu.memory_space<vmem>> -> memref<1x64xi32, #tpu.memory_space<vmem>>
    %dma_wait3A_88 = tpu.memref_squeeze %dma_wait3A_87 : memref<1x64xi32, #tpu.memory_space<vmem>> -> memref<64xi32, #tpu.memory_space<vmem>>
    %dma_wait3A_89 = arith.constant 0 : i32
    %dma_wait3A_90 = arith.constant 0 : i32
    %dma_wait3A_91 = tpu.memref_slice %arg2[%dma_wait3A_89, %dma_wait3A_90] : memref<8192x512xf32, #tpu.memory_space<hbm>> -> memref<8192x512xf32, #tpu.memory_space<hbm>>
    %dma_wait3A_92 = tpu.memref_slice %arg7[%dma_wait3A_81] : memref<3x!tpu.dma_semaphore, #tpu.memory_space<semaphore_mem>> -> memref<1x!tpu.dma_semaphore, #tpu.memory_space<semaphore_mem>>
    %dma_wait3A_93 = tpu.memref_squeeze %dma_wait3A_92 : memref<1x!tpu.dma_semaphore, #tpu.memory_space<semaphore_mem>> -> memref<!tpu.dma_semaphore, #tpu.memory_space<semaphore_mem>>
    tpu.wait_indirect_dma semaphore(%dma_wait3A_93 : memref<!tpu.dma_semaphore, #tpu.memory_space<semaphore_mem>>) src(%dma_wait3A_91 : memref<8192x512xf32, #tpu.memory_space<hbm>>) dst(%dma_wait3A_85 : memref<64x512xf32, #tpu.memory_space<vmem>>)
    %add3A_94 = arith.constant 64 : i32
    %add3A_95 = arith.addi %mul3A_2, %add3A_94 : i32
    %dma_start3A_96 = arith.constant 1 : i32
    %dma_start3A_97 = arith.constant 1 : i32
    %dma_start3A_98 = arith.constant 0 : i32
    %dma_start3A_99 = arith.constant 0 : i32
    %dma_start3A_100 = tpu.memref_slice %arg6[%dma_start3A_96, %dma_start3A_98, %dma_start3A_99] : memref<3x64x512xf32, #tpu.memory_space<vmem>> -> memref<1x64x512xf32, #tpu.memory_space<vmem>>
    %dma_start3A_101 = tpu.memref_squeeze %dma_start3A_100 : memref<1x64x512xf32, #tpu.memory_space<vmem>> -> memref<64x512xf32, #tpu.memory_space<vmem>>
    %dma_start3A_102 = arith.constant 0 : i32
    %dma_start3A_103 = tpu.memref_slice %arg4[%add3A_95, %dma_start3A_102] : memref<8192x512xf32, #tpu.memory_space<hbm>> -> memref<64x512xf32, #tpu.memory_space<hbm>>
    %dma_start3A_104 = tpu.memref_slice %arg8[%dma_start3A_97] : memref<3x!tpu.dma_semaphore, #tpu.memory_space<semaphore_mem>> -> memref<1x!tpu.dma_semaphore, #tpu.memory_space<semaphore_mem>>
    %dma_start3A_105 = tpu.memref_squeeze %dma_start3A_104 : memref<1x!tpu.dma_semaphore, #tpu.memory_space<semaphore_mem>> -> memref<!tpu.dma_semaphore, #tpu.memory_space<semaphore_mem>>
    %dma_start3A_106 = arith.constant 0 : i32
    %dma_start3A_107 = tpu.memref_slice %arg4[%add3A_95, %dma_start3A_106] : memref<8192x512xf32, #tpu.memory_space<hbm>> -> memref<64x512xf32, #tpu.memory_space<hbm>>
    %dma_start3A_108 = arith.constant 0 : i32
    %dma_start3A_109 = arith.constant 0 : i32
    %dma_start3A_110 = tpu.memref_slice %arg6[%dma_start3A_96, %dma_start3A_108, %dma_start3A_109] : memref<3x64x512xf32, #tpu.memory_space<vmem>> -> memref<1x64x512xf32, #tpu.memory_space<vmem>>
    %dma_start3A_111 = tpu.memref_squeeze %dma_start3A_110 : memref<1x64x512xf32, #tpu.memory_space<vmem>> -> memref<64x512xf32, #tpu.memory_space<vmem>>
    tpu.enqueue_dma source(%dma_start3A_111 : memref<64x512xf32, #tpu.memory_space<vmem>>) target(%dma_start3A_107 : memref<64x512xf32, #tpu.memory_space<hbm>>) target_semaphore(%dma_start3A_105 : memref<!tpu.dma_semaphore, #tpu.memory_space<semaphore_mem>>)
    %dma_wait3A_112 = arith.constant 0 : i32
    %dma_wait3A_113 = arith.constant 0 : i32
    %dma_wait3A_114 = arith.constant 0 : i32
    %dma_wait3A_115 = arith.constant 0 : i32
    %dma_wait3A_116 = tpu.memref_slice %arg6[%dma_wait3A_112, %dma_wait3A_114, %dma_wait3A_115] : memref<3x64x512xf32, #tpu.memory_space<vmem>> -> memref<1x64x512xf32, #tpu.memory_space<vmem>>
    %dma_wait3A_117 = tpu.memref_squeeze %dma_wait3A_116 : memref<1x64x512xf32, #tpu.memory_space<vmem>> -> memref<64x512xf32, #tpu.memory_space<vmem>>
    %dma_wait3A_118 = arith.constant 0 : i32
    %dma_wait3A_119 = tpu.memref_slice %arg4[%add3A_47, %dma_wait3A_118] : memref<8192x512xf32, #tpu.memory_space<hbm>> -> memref<64x512xf32, #tpu.memory_space<hbm>>
    %dma_wait3A_120 = tpu.memref_slice %arg8[%dma_wait3A_113] : memref<3x!tpu.dma_semaphore, #tpu.memory_space<semaphore_mem>> -> memref<1x!tpu.dma_semaphore, #tpu.memory_space<semaphore_mem>>
    %dma_wait3A_121 = tpu.memref_squeeze %dma_wait3A_120 : memref<1x!tpu.dma_semaphore, #tpu.memory_space<semaphore_mem>> -> memref<!tpu.dma_semaphore, #tpu.memory_space<semaphore_mem>>
    %dma_wait3A_122 = arith.constant 0 : i32
    %dma_wait3A_123 = tpu.memref_slice %arg4[%add3A_47, %dma_wait3A_122] : memref<8192x512xf32, #tpu.memory_space<hbm>> -> memref<64x512xf32, #tpu.memory_space<hbm>>
    %dma_wait3A_124 = arith.constant 0 : i32
    %dma_wait3A_125 = arith.constant 0 : i32
    %dma_wait3A_126 = tpu.memref_slice %arg6[%dma_wait3A_112, %dma_wait3A_124, %dma_wait3A_125] : memref<3x64x512xf32, #tpu.memory_space<vmem>> -> memref<1x64x512xf32, #tpu.memory_space<vmem>>
    %dma_wait3A_127 = tpu.memref_squeeze %dma_wait3A_126 : memref<1x64x512xf32, #tpu.memory_space<vmem>> -> memref<64x512xf32, #tpu.memory_space<vmem>>
    tpu.wait_dma2 semaphore(%dma_wait3A_121 : memref<!tpu.dma_semaphore, #tpu.memory_space<semaphore_mem>>) src(%dma_wait3A_127 : memref<64x512xf32, #tpu.memory_space<vmem>>) dst(%dma_wait3A_123 : memref<64x512xf32, #tpu.memory_space<hbm>>)
    %dma_start3A_128 = arith.constant 3 : i32
    %dma_start3A_129 = arith.constant 0 : i32
    %dma_start3A_130 = arith.constant 0 : i32
    %dma_start3A_131 = arith.constant 0 : i32
    %dma_start3A_132 = arith.constant 0 : i32
    %dma_start3A_133 = tpu.memref_slice %arg6[%dma_start3A_129, %dma_start3A_131, %dma_start3A_132] : memref<3x64x512xf32, #tpu.memory_space<vmem>> -> memref<1x64x512xf32, #tpu.memory_space<vmem>>
    %dma_start3A_134 = tpu.memref_squeeze %dma_start3A_133 : memref<1x64x512xf32, #tpu.memory_space<vmem>> -> memref<64x512xf32, #tpu.memory_space<vmem>>
    %dma_start3A_135 = arith.constant 0 : i32
    %dma_start3A_136 = tpu.memref_slice %arg5[%dma_start3A_128, %dma_start3A_135] : memref<4x64xi32, #tpu.memory_space<vmem>> -> memref<1x64xi32, #tpu.memory_space<vmem>>
    %dma_start3A_137 = tpu.memref_squeeze %dma_start3A_136 : memref<1x64xi32, #tpu.memory_space<vmem>> -> memref<64xi32, #tpu.memory_space<vmem>>
    %dma_start3A_138 = arith.constant 0 : i32
    %dma_start3A_139 = arith.constant 0 : i32
    %dma_start3A_140 = tpu.memref_slice %arg2[%dma_start3A_138, %dma_start3A_139] : memref<8192x512xf32, #tpu.memory_space<hbm>> -> memref<8192x512xf32, #tpu.memory_space<hbm>>
    %dma_start3A_141 = tpu.memref_slice %arg7[%dma_start3A_130] : memref<3x!tpu.dma_semaphore, #tpu.memory_space<semaphore_mem>> -> memref<1x!tpu.dma_semaphore, #tpu.memory_space<semaphore_mem>>
    %dma_start3A_142 = tpu.memref_squeeze %dma_start3A_141 : memref<1x!tpu.dma_semaphore, #tpu.memory_space<semaphore_mem>> -> memref<!tpu.dma_semaphore, #tpu.memory_space<semaphore_mem>>
    tpu.enqueue_indirect_dma source(%dma_start3A_140 : memref<8192x512xf32, #tpu.memory_space<hbm>>) target(%dma_start3A_134 : memref<64x512xf32, #tpu.memory_space<vmem>>) offsets(%dma_start3A_137 : memref<64xi32, #tpu.memory_space<vmem>>) semaphore(%dma_start3A_142 : memref<!tpu.dma_semaphore, #tpu.memory_space<semaphore_mem>>)
    %dma_wait3A_143 = arith.constant 2 : i32
    %dma_wait3A_144 = arith.constant 2 : i32
    %dma_wait3A_145 = arith.constant 2 : i32
    %dma_wait3A_146 = arith.constant 0 : i32
    %dma_wait3A_147 = arith.constant 0 : i32
    %dma_wait3A_148 = tpu.memref_slice %arg6[%dma_wait3A_144, %dma_wait3A_146, %dma_wait3A_147] : memref<3x64x512xf32, #tpu.memory_space<vmem>> -> memref<1x64x512xf32, #tpu.memory_space<vmem>>
    %dma_wait3A_149 = tpu.memref_squeeze %dma_wait3A_148 : memref<1x64x512xf32, #tpu.memory_space<vmem>> -> memref<64x512xf32, #tpu.memory_space<vmem>>
    %dma_wait3A_150 = arith.constant 0 : i32
    %dma_wait3A_151 = tpu.memref_slice %arg5[%dma_wait3A_143, %dma_wait3A_150] : memref<4x64xi32, #tpu.memory_space<vmem>> -> memref<1x64xi32, #tpu.memory_space<vmem>>
    %dma_wait3A_152 = tpu.memref_squeeze %dma_wait3A_151 : memref<1x64xi32, #tpu.memory_space<vmem>> -> memref<64xi32, #tpu.memory_space<vmem>>
    %dma_wait3A_153 = arith.constant 0 : i32
    %dma_wait3A_154 = arith.constant 0 : i32
    %dma_wait3A_155 = tpu.memref_slice %arg2[%dma_wait3A_153, %dma_wait3A_154] : memref<8192x512xf32, #tpu.memory_space<hbm>> -> memref<8192x512xf32, #tpu.memory_space<hbm>>
    %dma_wait3A_156 = tpu.memref_slice %arg7[%dma_wait3A_145] : memref<3x!tpu.dma_semaphore, #tpu.memory_space<semaphore_mem>> -> memref<1x!tpu.dma_semaphore, #tpu.memory_space<semaphore_mem>>
    %dma_wait3A_157 = tpu.memref_squeeze %dma_wait3A_156 : memref<1x!tpu.dma_semaphore, #tpu.memory_space<semaphore_mem>> -> memref<!tpu.dma_semaphore, #tpu.memory_space<semaphore_mem>>
    tpu.wait_indirect_dma semaphore(%dma_wait3A_157 : memref<!tpu.dma_semaphore, #tpu.memory_space<semaphore_mem>>) src(%dma_wait3A_155 : memref<8192x512xf32, #tpu.memory_space<hbm>>) dst(%dma_wait3A_149 : memref<64x512xf32, #tpu.memory_space<vmem>>)
    %add3A_158 = arith.constant 128 : i32
    %add3A_159 = arith.addi %mul3A_2, %add3A_158 : i32
    %dma_start3A_160 = arith.constant 2 : i32
    %dma_start3A_161 = arith.constant 2 : i32
    %dma_start3A_162 = arith.constant 0 : i32
    %dma_start3A_163 = arith.constant 0 : i32
    %dma_start3A_164 = tpu.memref_slice %arg6[%dma_start3A_160, %dma_start3A_162, %dma_start3A_163] : memref<3x64x512xf32, #tpu.memory_space<vmem>> -> memref<1x64x512xf32, #tpu.memory_space<vmem>>
    %dma_start3A_165 = tpu.memref_squeeze %dma_start3A_164 : memref<1x64x512xf32, #tpu.memory_space<vmem>> -> memref<64x512xf32, #tpu.memory_space<vmem>>
    %dma_start3A_166 = arith.constant 0 : i32
    %dma_start3A_167 = tpu.memref_slice %arg4[%add3A_159, %dma_start3A_166] : memref<8192x512xf32, #tpu.memory_space<hbm>> -> memref<64x512xf32, #tpu.memory_space<hbm>>
    %dma_start3A_168 = tpu.memref_slice %arg8[%dma_start3A_161] : memref<3x!tpu.dma_semaphore, #tpu.memory_space<semaphore_mem>> -> memref<1x!tpu.dma_semaphore, #tpu.memory_space<semaphore_mem>>
    %dma_start3A_169 = tpu.memref_squeeze %dma_start3A_168 : memref<1x!tpu.dma_semaphore, #tpu.memory_space<semaphore_mem>> -> memref<!tpu.dma_semaphore, #tpu.memory_space<semaphore_mem>>
    %dma_start3A_170 = arith.constant 0 : i32
    %dma_start3A_171 = tpu.memref_slice %arg4[%add3A_159, %dma_start3A_170] : memref<8192x512xf32, #tpu.memory_space<hbm>> -> memref<64x512xf32, #tpu.memory_space<hbm>>
    %dma_start3A_172 = arith.constant 0 : i32
    %dma_start3A_173 = arith.constant 0 : i32
    %dma_start3A_174 = tpu.memref_slice %arg6[%dma_start3A_160, %dma_start3A_172, %dma_start3A_173] : memref<3x64x512xf32, #tpu.memory_space<vmem>> -> memref<1x64x512xf32, #tpu.memory_space<vmem>>
    %dma_start3A_175 = tpu.memref_squeeze %dma_start3A_174 : memref<1x64x512xf32, #tpu.memory_space<vmem>> -> memref<64x512xf32, #tpu.memory_space<vmem>>
    tpu.enqueue_dma source(%dma_start3A_175 : memref<64x512xf32, #tpu.memory_space<vmem>>) target(%dma_start3A_171 : memref<64x512xf32, #tpu.memory_space<hbm>>) target_semaphore(%dma_start3A_169 : memref<!tpu.dma_semaphore, #tpu.memory_space<semaphore_mem>>)
    %dma_wait3A_176 = arith.constant 3 : i32
    %dma_wait3A_177 = arith.constant 0 : i32
    %dma_wait3A_178 = arith.constant 0 : i32
    %dma_wait3A_179 = arith.constant 0 : i32
    %dma_wait3A_180 = arith.constant 0 : i32
    %dma_wait3A_181 = tpu.memref_slice %arg6[%dma_wait3A_177, %dma_wait3A_179, %dma_wait3A_180] : memref<3x64x512xf32, #tpu.memory_space<vmem>> -> memref<1x64x512xf32, #tpu.memory_space<vmem>>
    %dma_wait3A_182 = tpu.memref_squeeze %dma_wait3A_181 : memref<1x64x512xf32, #tpu.memory_space<vmem>> -> memref<64x512xf32, #tpu.memory_space<vmem>>
    %dma_wait3A_183 = arith.constant 0 : i32
    %dma_wait3A_184 = tpu.memref_slice %arg5[%dma_wait3A_176, %dma_wait3A_183] : memref<4x64xi32, #tpu.memory_space<vmem>> -> memref<1x64xi32, #tpu.memory_space<vmem>>
    %dma_wait3A_185 = tpu.memref_squeeze %dma_wait3A_184 : memref<1x64xi32, #tpu.memory_space<vmem>> -> memref<64xi32, #tpu.memory_space<vmem>>
    %dma_wait3A_186 = arith.constant 0 : i32
    %dma_wait3A_187 = arith.constant 0 : i32
    %dma_wait3A_188 = tpu.memref_slice %arg2[%dma_wait3A_186, %dma_wait3A_187] : memref<8192x512xf32, #tpu.memory_space<hbm>> -> memref<8192x512xf32, #tpu.memory_space<hbm>>
    %dma_wait3A_189 = tpu.memref_slice %arg7[%dma_wait3A_178] : memref<3x!tpu.dma_semaphore, #tpu.memory_space<semaphore_mem>> -> memref<1x!tpu.dma_semaphore, #tpu.memory_space<semaphore_mem>>
    %dma_wait3A_190 = tpu.memref_squeeze %dma_wait3A_189 : memref<1x!tpu.dma_semaphore, #tpu.memory_space<semaphore_mem>> -> memref<!tpu.dma_semaphore, #tpu.memory_space<semaphore_mem>>
    tpu.wait_indirect_dma semaphore(%dma_wait3A_190 : memref<!tpu.dma_semaphore, #tpu.memory_space<semaphore_mem>>) src(%dma_wait3A_188 : memref<8192x512xf32, #tpu.memory_space<hbm>>) dst(%dma_wait3A_182 : memref<64x512xf32, #tpu.memory_space<vmem>>)
    %add3A_191 = arith.constant 192 : i32
    %add3A_192 = arith.addi %mul3A_2, %add3A_191 : i32
    %dma_start3A_193 = arith.constant 0 : i32
    %dma_start3A_194 = arith.constant 0 : i32
    %dma_start3A_195 = arith.constant 0 : i32
    %dma_start3A_196 = arith.constant 0 : i32
    %dma_start3A_197 = tpu.memref_slice %arg6[%dma_start3A_193, %dma_start3A_195, %dma_start3A_196] : memref<3x64x512xf32, #tpu.memory_space<vmem>> -> memref<1x64x512xf32, #tpu.memory_space<vmem>>
    %dma_start3A_198 = tpu.memref_squeeze %dma_start3A_197 : memref<1x64x512xf32, #tpu.memory_space<vmem>> -> memref<64x512xf32, #tpu.memory_space<vmem>>
    %dma_start3A_199 = arith.constant 0 : i32
    %dma_start3A_200 = tpu.memref_slice %arg4[%add3A_192, %dma_start3A_199] : memref<8192x512xf32, #tpu.memory_space<hbm>> -> memref<64x512xf32, #tpu.memory_space<hbm>>
    %dma_start3A_201 = tpu.memref_slice %arg8[%dma_start3A_194] : memref<3x!tpu.dma_semaphore, #tpu.memory_space<semaphore_mem>> -> memref<1x!tpu.dma_semaphore, #tpu.memory_space<semaphore_mem>>
    %dma_start3A_202 = tpu.memref_squeeze %dma_start3A_201 : memref<1x!tpu.dma_semaphore, #tpu.memory_space<semaphore_mem>> -> memref<!tpu.dma_semaphore, #tpu.memory_space<semaphore_mem>>
    %dma_start3A_203 = arith.constant 0 : i32
    %dma_start3A_204 = tpu.memref_slice %arg4[%add3A_192, %dma_start3A_203] : memref<8192x512xf32, #tpu.memory_space<hbm>> -> memref<64x512xf32, #tpu.memory_space<hbm>>
    %dma_start3A_205 = arith.constant 0 : i32
    %dma_start3A_206 = arith.constant 0 : i32
    %dma_start3A_207 = tpu.memref_slice %arg6[%dma_start3A_193, %dma_start3A_205, %dma_start3A_206] : memref<3x64x512xf32, #tpu.memory_space<vmem>> -> memref<1x64x512xf32, #tpu.memory_space<vmem>>
    %dma_start3A_208 = tpu.memref_squeeze %dma_start3A_207 : memref<1x64x512xf32, #tpu.memory_space<vmem>> -> memref<64x512xf32, #tpu.memory_space<vmem>>
    tpu.enqueue_dma source(%dma_start3A_208 : memref<64x512xf32, #tpu.memory_space<vmem>>) target(%dma_start3A_204 : memref<64x512xf32, #tpu.memory_space<hbm>>) target_semaphore(%dma_start3A_202 : memref<!tpu.dma_semaphore, #tpu.memory_space<semaphore_mem>>)
    %dma_wait3A_209 = arith.constant 1 : i32
    %dma_wait3A_210 = arith.constant 1 : i32
    %dma_wait3A_211 = arith.constant 0 : i32
    %dma_wait3A_212 = arith.constant 0 : i32
    %dma_wait3A_213 = tpu.memref_slice %arg6[%dma_wait3A_209, %dma_wait3A_211, %dma_wait3A_212] : memref<3x64x512xf32, #tpu.memory_space<vmem>> -> memref<1x64x512xf32, #tpu.memory_space<vmem>>
    %dma_wait3A_214 = tpu.memref_squeeze %dma_wait3A_213 : memref<1x64x512xf32, #tpu.memory_space<vmem>> -> memref<64x512xf32, #tpu.memory_space<vmem>>
    %dma_wait3A_215 = arith.constant 0 : i32
    %dma_wait3A_216 = tpu.memref_slice %arg4[%add3A_95, %dma_wait3A_215] : memref<8192x512xf32, #tpu.memory_space<hbm>> -> memref<64x512xf32, #tpu.memory_space<hbm>>
    %dma_wait3A_217 = tpu.memref_slice %arg8[%dma_wait3A_210] : memref<3x!tpu.dma_semaphore, #tpu.memory_space<semaphore_mem>> -> memref<1x!tpu.dma_semaphore, #tpu.memory_space<semaphore_mem>>
    %dma_wait3A_218 = tpu.memref_squeeze %dma_wait3A_217 : memref<1x!tpu.dma_semaphore, #tpu.memory_space<semaphore_mem>> -> memref<!tpu.dma_semaphore, #tpu.memory_space<semaphore_mem>>
    %dma_wait3A_219 = arith.constant 0 : i32
    %dma_wait3A_220 = tpu.memref_slice %arg4[%add3A_95, %dma_wait3A_219] : memref<8192x512xf32, #tpu.memory_space<hbm>> -> memref<64x512xf32, #tpu.memory_space<hbm>>
    %dma_wait3A_221 = arith.constant 0 : i32
    %dma_wait3A_222 = arith.constant 0 : i32
    %dma_wait3A_223 = tpu.memref_slice %arg6[%dma_wait3A_209, %dma_wait3A_221, %dma_wait3A_222] : memref<3x64x512xf32, #tpu.memory_space<vmem>> -> memref<1x64x512xf32, #tpu.memory_space<vmem>>
    %dma_wait3A_224 = tpu.memref_squeeze %dma_wait3A_223 : memref<1x64x512xf32, #tpu.memory_space<vmem>> -> memref<64x512xf32, #tpu.memory_space<vmem>>
    tpu.wait_dma2 semaphore(%dma_wait3A_218 : memref<!tpu.dma_semaphore, #tpu.memory_space<semaphore_mem>>) src(%dma_wait3A_224 : memref<64x512xf32, #tpu.memory_space<vmem>>) dst(%dma_wait3A_220 : memref<64x512xf32, #tpu.memory_space<hbm>>)
    %dma_wait3A_225 = arith.constant 2 : i32
    %dma_wait3A_226 = arith.constant 2 : i32
    %dma_wait3A_227 = arith.constant 0 : i32
    %dma_wait3A_228 = arith.constant 0 : i32
    %dma_wait3A_229 = tpu.memref_slice %arg6[%dma_wait3A_225, %dma_wait3A_227, %dma_wait3A_228] : memref<3x64x512xf32, #tpu.memory_space<vmem>> -> memref<1x64x512xf32, #tpu.memory_space<vmem>>
    %dma_wait3A_230 = tpu.memref_squeeze %dma_wait3A_229 : memref<1x64x512xf32, #tpu.memory_space<vmem>> -> memref<64x512xf32, #tpu.memory_space<vmem>>
    %dma_wait3A_231 = arith.constant 0 : i32
    %dma_wait3A_232 = tpu.memref_slice %arg4[%add3A_159, %dma_wait3A_231] : memref<8192x512xf32, #tpu.memory_space<hbm>> -> memref<64x512xf32, #tpu.memory_space<hbm>>
    %dma_wait3A_233 = tpu.memref_slice %arg8[%dma_wait3A_226] : memref<3x!tpu.dma_semaphore, #tpu.memory_space<semaphore_mem>> -> memref<1x!tpu.dma_semaphore, #tpu.memory_space<semaphore_mem>>
    %dma_wait3A_234 = tpu.memref_squeeze %dma_wait3A_233 : memref<1x!tpu.dma_semaphore, #tpu.memory_space<semaphore_mem>> -> memref<!tpu.dma_semaphore, #tpu.memory_space<semaphore_mem>>
    %dma_wait3A_235 = arith.constant 0 : i32
    %dma_wait3A_236 = tpu.memref_slice %arg4[%add3A_159, %dma_wait3A_235] : memref<8192x512xf32, #tpu.memory_space<hbm>> -> memref<64x512xf32, #tpu.memory_space<hbm>>
    %dma_wait3A_237 = arith.constant 0 : i32
    %dma_wait3A_238 = arith.constant 0 : i32
    %dma_wait3A_239 = tpu.memref_slice %arg6[%dma_wait3A_225, %dma_wait3A_237, %dma_wait3A_238] : memref<3x64x512xf32, #tpu.memory_space<vmem>> -> memref<1x64x512xf32, #tpu.memory_space<vmem>>
    %dma_wait3A_240 = tpu.memref_squeeze %dma_wait3A_239 : memref<1x64x512xf32, #tpu.memory_space<vmem>> -> memref<64x512xf32, #tpu.memory_space<vmem>>
    tpu.wait_dma2 semaphore(%dma_wait3A_234 : memref<!tpu.dma_semaphore, #tpu.memory_space<semaphore_mem>>) src(%dma_wait3A_240 : memref<64x512xf32, #tpu.memory_space<vmem>>) dst(%dma_wait3A_236 : memref<64x512xf32, #tpu.memory_space<hbm>>)
    %dma_wait3A_241 = arith.constant 0 : i32
    %dma_wait3A_242 = arith.constant 0 : i32
    %dma_wait3A_243 = arith.constant 0 : i32
    %dma_wait3A_244 = arith.constant 0 : i32
    %dma_wait3A_245 = tpu.memref_slice %arg6[%dma_wait3A_241, %dma_wait3A_243, %dma_wait3A_244] : memref<3x64x512xf32, #tpu.memory_space<vmem>> -> memref<1x64x512xf32, #tpu.memory_space<vmem>>
    %dma_wait3A_246 = tpu.memref_squeeze %dma_wait3A_245 : memref<1x64x512xf32, #tpu.memory_space<vmem>> -> memref<64x512xf32, #tpu.memory_space<vmem>>
    %dma_wait3A_247 = arith.constant 0 : i32
    %dma_wait3A_248 = tpu.memref_slice %arg4[%add3A_192, %dma_wait3A_247] : memref<8192x512xf32, #tpu.memory_space<hbm>> -> memref<64x512xf32, #tpu.memory_space<hbm>>
    %dma_wait3A_249 = tpu.memref_slice %arg8[%dma_wait3A_242] : memref<3x!tpu.dma_semaphore, #tpu.memory_space<semaphore_mem>> -> memref<1x!tpu.dma_semaphore, #tpu.memory_space<semaphore_mem>>
    %dma_wait3A_250 = tpu.memref_squeeze %dma_wait3A_249 : memref<1x!tpu.dma_semaphore, #tpu.memory_space<semaphore_mem>> -> memref<!tpu.dma_semaphore, #tpu.memory_space<semaphore_mem>>
    %dma_wait3A_251 = arith.constant 0 : i32
    %dma_wait3A_252 = tpu.memref_slice %arg4[%add3A_192, %dma_wait3A_251] : memref<8192x512xf32, #tpu.memory_space<hbm>> -> memref<64x512xf32, #tpu.memory_space<hbm>>
    %dma_wait3A_253 = arith.constant 0 : i32
    %dma_wait3A_254 = arith.constant 0 : i32
    %dma_wait3A_255 = tpu.memref_slice %arg6[%dma_wait3A_241, %dma_wait3A_253, %dma_wait3A_254] : memref<3x64x512xf32, #tpu.memory_space<vmem>> -> memref<1x64x512xf32, #tpu.memory_space<vmem>>
    %dma_wait3A_256 = tpu.memref_squeeze %dma_wait3A_255 : memref<1x64x512xf32, #tpu.memory_space<vmem>> -> memref<64x512xf32, #tpu.memory_space<vmem>>
    tpu.wait_dma2 semaphore(%dma_wait3A_250 : memref<!tpu.dma_semaphore, #tpu.memory_space<semaphore_mem>>) src(%dma_wait3A_256 : memref<64x512xf32, #tpu.memory_space<vmem>>) dst(%dma_wait3A_252 : memref<64x512xf32, #tpu.memory_space<hbm>>)
    return
  }
}

module attributes {stable_mosaic.version = 14 : i64} {
  func.func @_mlp_body(%arg0: i32, %arg1: memref<4x31xi32, #tpu.memory_space<smem>>, %arg2: memref<512x512xf32, #tpu.memory_space<vmem>>, %arg3: memref<1x1024x512xf32, #tpu.memory_space<vmem>>, %arg4: memref<1x1x1024xf32, #tpu.memory_space<vmem>>, %arg5: memref<1x512x1024xf32, #tpu.memory_space<vmem>>, %arg6: memref<1x1x512xf32, #tpu.memory_space<vmem>>, %arg7: memref<1x512xf32, #tpu.memory_space<vmem>>, %arg8: memref<1x512xf32, #tpu.memory_space<vmem>>, %arg9: memref<512x512xf32, #tpu.memory_space<vmem>>) attributes {dimension_semantics = [#tpu.dimension_semantics<arbitrary>], iteration_bounds = array<i64: 31>, scalar_prefetch = 1 : i64, scratch_operands = 0 : i64, tpu.core_type = #tpu.core_type<tc>, window_params = [{transform_indices = @transform_0, window_bounds = array<i64: 512, 512>}, {transform_indices = @transform_1, window_bounds = array<i64: 1, 1024, 512>}, {transform_indices = @transform_2, window_bounds = array<i64: 1, 1, 1024>}, {transform_indices = @transform_3, window_bounds = array<i64: 1, 512, 1024>}, {transform_indices = @transform_4, window_bounds = array<i64: 1, 1, 512>}, {pipeline_mode = #tpu.pipeline_mode<synchronous>, transform_indices = @transform_5, window_bounds = array<i64: 1, 512>}, {pipeline_mode = #tpu.pipeline_mode<synchronous>, transform_indices = @transform_6, window_bounds = array<i64: 1, 512>}, {transform_indices = @transform_7, window_bounds = array<i64: 512, 512>}]} {
    %get3A = arith.constant 2 : index
    %get3A_0 = arith.index_cast %arg0 : i32 to index
    %get3A_1 = memref.load %arg1[%get3A, %get3A_0] : memref<4x31xi32, #tpu.memory_space<smem>>
    %get3A_2 = arith.constant 3 : index
    %get3A_3 = arith.index_cast %arg0 : i32 to index
    %get3A_4 = memref.load %arg1[%get3A_2, %get3A_3] : memref<4x31xi32, #tpu.memory_space<smem>>
    %get3A_5 = arith.constant 0 : index
    %get3A_6 = arith.constant 0 : index
    %get3A_7 = vector.load %arg2[%get3A_5, %get3A_6] : memref<512x512xf32, #tpu.memory_space<vmem>>, vector<512x512xf32>
    %get3A_8 = arith.constant 0 : index
    %get3A_9 = arith.constant 0 : index
    %get3A_10 = arith.constant 0 : index
    %get3A_11 = vector.load %arg3[%get3A_8, %get3A_9, %get3A_10] : memref<1x1024x512xf32, #tpu.memory_space<vmem>>, vector<1x1024x512xf32>
    %get3A_12 = vector.shape_cast %get3A_11 : vector<1x1024x512xf32> to vector<1024x512xf32>
    %dot_general3A = arith.constant dense<0.000000e+00> : vector<512x1024xf32>
    %dot_general3A_13 = tpu.matmul %get3A_7, %get3A_12, %dot_general3A {dimension_numbers = #tpu.dot_dimension_numbers<[1], [1], [0], [0], [0, 0, 1, 0], [], []>, transpose_lhs_hint = false} : vector<512x512xf32>, vector<1024x512xf32>, vector<512x1024xf32> -> vector<512x1024xf32>
    %get3A_14 = arith.constant 0 : index
    %get3A_15 = arith.constant 0 : index
    %get3A_16 = arith.constant 0 : index
    %get3A_17 = vector.load %arg4[%get3A_14, %get3A_15, %get3A_16] : memref<1x1x1024xf32, #tpu.memory_space<vmem>>, vector<1x1x1024xf32>
    %get3A_18 = vector.shape_cast %get3A_17 : vector<1x1x1024xf32> to vector<1x1024xf32>
    %add3A = vector.broadcast %get3A_18 : vector<1x1024xf32> to vector<512x1024xf32>
    %add3A_19 = arith.addf %dot_general3A_13, %add3A : vector<512x1024xf32>
    %integer_pow3A = arith.mulf %add3A_19, %add3A_19 : vector<512x1024xf32>
    %integer_pow3A_20 = arith.mulf %add3A_19, %integer_pow3A : vector<512x1024xf32>
    %mul3A = arith.constant 4.471500e-02 : f32
    %mul3A_21 = vector.broadcast %mul3A : f32 to vector<512x1024xf32>
    %mul3A_22 = arith.mulf %mul3A_21, %integer_pow3A_20 : vector<512x1024xf32>
    %add3A_23 = arith.addf %add3A_19, %mul3A_22 : vector<512x1024xf32>
    %mul3A_24 = arith.constant 0.797884583 : f32
    %mul3A_25 = vector.broadcast %mul3A_24 : f32 to vector<512x1024xf32>
    %mul3A_26 = arith.mulf %mul3A_25, %add3A_23 : vector<512x1024xf32>
    %tanh3A = math.tanh %mul3A_26 : vector<512x1024xf32>
    %add3A_27 = arith.constant 1.000000e+00 : f32
    %add3A_28 = vector.broadcast %add3A_27 : f32 to vector<512x1024xf32>
    %add3A_29 = arith.addf %add3A_28, %tanh3A : vector<512x1024xf32>
    %mul3A_30 = arith.constant 5.000000e-01 : f32
    %mul3A_31 = vector.broadcast %mul3A_30 : f32 to vector<512x1024xf32>
    %mul3A_32 = arith.mulf %mul3A_31, %add3A_29 : vector<512x1024xf32>
    %mul3A_33 = arith.mulf %add3A_19, %mul3A_32 : vector<512x1024xf32>
    %get3A_34 = arith.constant 0 : index
    %get3A_35 = arith.constant 0 : index
    %get3A_36 = arith.constant 0 : index
    %get3A_37 = vector.load %arg5[%get3A_34, %get3A_35, %get3A_36] : memref<1x512x1024xf32, #tpu.memory_space<vmem>>, vector<1x512x1024xf32>
    %get3A_38 = vector.shape_cast %get3A_37 : vector<1x512x1024xf32> to vector<512x1024xf32>
    %dot_general3A_39 = arith.constant dense<0.000000e+00> : vector<512x512xf32>
    %dot_general3A_40 = tpu.matmul %mul3A_33, %get3A_38, %dot_general3A_39 {dimension_numbers = #tpu.dot_dimension_numbers<[1], [1], [0], [0], [0, 0, 1, 0], [], []>, transpose_lhs_hint = false} : vector<512x1024xf32>, vector<512x1024xf32>, vector<512x512xf32> -> vector<512x512xf32>
    %get3A_41 = arith.constant 0 : index
    %get3A_42 = arith.constant 0 : index
    %get3A_43 = arith.constant 0 : index
    %get3A_44 = vector.load %arg6[%get3A_41, %get3A_42, %get3A_43] : memref<1x1x512xf32, #tpu.memory_space<vmem>>, vector<1x1x512xf32>
    %get3A_45 = vector.shape_cast %get3A_44 : vector<1x1x512xf32> to vector<1x512xf32>
    %add3A_46 = vector.broadcast %get3A_45 : vector<1x512xf32> to vector<512x512xf32>
    %add3A_47 = arith.addf %dot_general3A_40, %add3A_46 : vector<512x512xf32>
    %add3A_48 = arith.addf %add3A_47, %get3A_7 : vector<512x512xf32>
    %reduce_sum3A = arith.constant dense<0.000000e+00> : vector<512xf32>
    %reduce_sum3A_49 = vector.multi_reduction <add>, %add3A_48, %reduce_sum3A [1] : vector<512x512xf32> to vector<512xf32>
    %broadcast_in_dim3A = vector.shape_cast %reduce_sum3A_49 : vector<512xf32> to vector<512x1xf32>
    %div3A = arith.constant 5.120000e+02 : f32
    %div3A_50 = vector.broadcast %div3A : f32 to vector<512x1xf32>
    %div3A_51 = arith.divf %broadcast_in_dim3A, %div3A_50 : vector<512x1xf32>
    %sub3A = vector.broadcast %div3A_51 : vector<512x1xf32> to vector<512x512xf32>
    %sub3A_52 = arith.subf %add3A_48, %sub3A : vector<512x512xf32>
    %mul3A_53 = arith.mulf %sub3A_52, %sub3A_52 : vector<512x512xf32>
    %reduce_sum3A_54 = arith.constant dense<0.000000e+00> : vector<512xf32>
    %reduce_sum3A_55 = vector.multi_reduction <add>, %mul3A_53, %reduce_sum3A_54 [1] : vector<512x512xf32> to vector<512xf32>
    %broadcast_in_dim3A_56 = vector.shape_cast %reduce_sum3A_55 : vector<512xf32> to vector<512x1xf32>
    %div3A_57 = arith.constant 5.120000e+02 : f32
    %div3A_58 = vector.broadcast %div3A_57 : f32 to vector<512x1xf32>
    %div3A_59 = arith.divf %broadcast_in_dim3A_56, %div3A_58 : vector<512x1xf32>
    %add3A_60 = arith.constant 9.99999996E-13 : f32
    %add3A_61 = vector.broadcast %add3A_60 : f32 to vector<512x1xf32>
    %add3A_62 = arith.addf %div3A_59, %add3A_61 : vector<512x1xf32>
    %rsqrt3A = math.rsqrt %add3A_62 : vector<512x1xf32>
    %mul3A_63 = vector.broadcast %rsqrt3A : vector<512x1xf32> to vector<512x512xf32>
    %mul3A_64 = arith.mulf %sub3A_52, %mul3A_63 : vector<512x512xf32>
    %get3A_65 = arith.constant 0 : index
    %get3A_66 = arith.constant 0 : index
    %get3A_67 = vector.load %arg7[%get3A_65, %get3A_66] : memref<1x512xf32, #tpu.memory_space<vmem>>, vector<1x512xf32>
    %mul3A_68 = vector.broadcast %get3A_67 : vector<1x512xf32> to vector<512x512xf32>
    %mul3A_69 = arith.mulf %mul3A_64, %mul3A_68 : vector<512x512xf32>
    %get3A_70 = arith.constant 0 : index
    %get3A_71 = arith.constant 0 : index
    %get3A_72 = vector.load %arg8[%get3A_70, %get3A_71] : memref<1x512xf32, #tpu.memory_space<vmem>>, vector<1x512xf32>
    %add3A_73 = vector.broadcast %get3A_72 : vector<1x512xf32> to vector<512x512xf32>
    %add3A_74 = arith.addf %mul3A_69, %add3A_73 : vector<512x512xf32>
    %iota3A = tpu.iota {dimensions = array<i32: 0>} : vector<512x1xi32>
    %ge3A = vector.broadcast %get3A_1 : i32 to vector<512x1xi32>
    %ge3A_75 = arith.cmpi sge, %iota3A, %ge3A : vector<512x1xi32>
    %lt3A = vector.broadcast %get3A_4 : i32 to vector<512x1xi32>
    %lt3A_76 = arith.cmpi slt, %iota3A, %lt3A : vector<512x1xi32>
    %and3A = arith.andi %ge3A_75, %lt3A_76 : vector<512x1xi1>
    %get3A_77 = arith.constant 0 : index
    %get3A_78 = arith.constant 0 : index
    %get3A_79 = vector.load %arg9[%get3A_77, %get3A_78] : memref<512x512xf32, #tpu.memory_space<vmem>>, vector<512x512xf32>
    %broadcast_in_dim3A_80 = vector.shape_cast %and3A : vector<512x1xi1> to vector<512x1xi1>
    %broadcast_in_dim3A_81 = vector.broadcast %broadcast_in_dim3A_80 : vector<512x1xi1> to vector<512x512xi1>
    %select_n3A = arith.select %broadcast_in_dim3A_81, %add3A_74, %get3A_79 : vector<512x512xi1>, vector<512x512xf32>
    %swap3A = arith.constant 0 : index
    %swap3A_82 = arith.constant 0 : index
    %swap3A_83 = vector.load %arg9[%swap3A, %swap3A_82] : memref<512x512xf32, #tpu.memory_space<vmem>>, vector<512x512xf32>
    tpu.vector_store %arg9[%swap3A, %swap3A_82], %select_n3A {strides = array<i32>} : memref<512x512xf32, #tpu.memory_space<vmem>>, vector<512x512xf32>,
    return
  }
  func.func @transform_0(%arg0: i32, %arg1: memref<4x31xi32, #tpu.memory_space<smem>>) -> (i32, i32) {
    %get3A = arith.constant 0 : index
    %get3A_0 = arith.index_cast %arg0 : i32 to index
    %get3A_1 = memref.load %arg1[%get3A, %get3A_0] : memref<4x31xi32, #tpu.memory_space<smem>>
    %c0_i32 = arith.constant 0 : i32
    %c0_i32_2 = arith.constant 0 : i32
    return %get3A_1, %c0_i32 : i32, i32
  }
  func.func @transform_1(%arg0: i32, %arg1: memref<4x31xi32, #tpu.memory_space<smem>>) -> (i32, i32, i32) {
    %get3A = arith.constant 1 : index
    %get3A_0 = arith.index_cast %arg0 : i32 to index
    %get3A_1 = memref.load %arg1[%get3A, %get3A_0] : memref<4x31xi32, #tpu.memory_space<smem>>
    %c0_i32 = arith.constant 0 : i32
    %c0_i32_2 = arith.constant 0 : i32
    %c0_i32_3 = arith.constant 0 : i32
    return %get3A_1, %c0_i32, %c0_i32_2 : i32, i32, i32
  }
  func.func @transform_2(%arg0: i32, %arg1: memref<4x31xi32, #tpu.memory_space<smem>>) -> (i32, i32, i32) {
    %get3A = arith.constant 1 : index
    %get3A_0 = arith.index_cast %arg0 : i32 to index
    %get3A_1 = memref.load %arg1[%get3A, %get3A_0] : memref<4x31xi32, #tpu.memory_space<smem>>
    %c0_i32 = arith.constant 0 : i32
    %c0_i32_2 = arith.constant 0 : i32
    %c0_i32_3 = arith.constant 0 : i32
    return %get3A_1, %c0_i32, %c0_i32_2 : i32, i32, i32
  }
  func.func @transform_3(%arg0: i32, %arg1: memref<4x31xi32, #tpu.memory_space<smem>>) -> (i32, i32, i32) {
    %get3A = arith.constant 1 : index
    %get3A_0 = arith.index_cast %arg0 : i32 to index
    %get3A_1 = memref.load %arg1[%get3A, %get3A_0] : memref<4x31xi32, #tpu.memory_space<smem>>
    %c0_i32 = arith.constant 0 : i32
    %c0_i32_2 = arith.constant 0 : i32
    %c0_i32_3 = arith.constant 0 : i32
    return %get3A_1, %c0_i32, %c0_i32_2 : i32, i32, i32
  }
  func.func @transform_4(%arg0: i32, %arg1: memref<4x31xi32, #tpu.memory_space<smem>>) -> (i32, i32, i32) {
    %get3A = arith.constant 1 : index
    %get3A_0 = arith.index_cast %arg0 : i32 to index
    %get3A_1 = memref.load %arg1[%get3A, %get3A_0] : memref<4x31xi32, #tpu.memory_space<smem>>
    %c0_i32 = arith.constant 0 : i32
    %c0_i32_2 = arith.constant 0 : i32
    %c0_i32_3 = arith.constant 0 : i32
    return %get3A_1, %c0_i32, %c0_i32_2 : i32, i32, i32
  }
  func.func @transform_5(%arg0: i32, %arg1: memref<4x31xi32, #tpu.memory_space<smem>>) -> (i32, i32) {
    %c0_i32 = arith.constant 0 : i32
    %c0_i32_0 = arith.constant 0 : i32
    %c0_i32_1 = arith.constant 0 : i32
    return %c0_i32, %c0_i32_0 : i32, i32
  }
  func.func @transform_6(%arg0: i32, %arg1: memref<4x31xi32, #tpu.memory_space<smem>>) -> (i32, i32) {
    %c0_i32 = arith.constant 0 : i32
    %c0_i32_0 = arith.constant 0 : i32
    %c0_i32_1 = arith.constant 0 : i32
    return %c0_i32, %c0_i32_0 : i32, i32
  }
  func.func @transform_7(%arg0: i32, %arg1: memref<4x31xi32, #tpu.memory_space<smem>>) -> (i32, i32) {
    %get3A = arith.constant 0 : index
    %get3A_0 = arith.index_cast %arg0 : i32 to index
    %get3A_1 = memref.load %arg1[%get3A, %get3A_0] : memref<4x31xi32, #tpu.memory_space<smem>>
    %c0_i32 = arith.constant 0 : i32
    %c0_i32_2 = arith.constant 0 : i32
    return %get3A_1, %c0_i32 : i32, i32
  }
}

</mosaic_0001>

<sc_bundles>
// kernel: kernel.5.cloned.1.call-start
scs
__scs_entry_jumppad:
0x0: {  	(pc) =	sbr.rel $0x88, $3  }
0x1: {  	(tag) =	ssettag $0x0;
	lr =	simm.s32 $0x1  }
0x2: {  	[smem:$0x3F99] =	sst lr;
	_ =	strace $0xD0000000  }
0x3: {  	_ = 	snop  }
0x4: {  	_ = 	snop  }
0x5: {  	_ = 	snop  }
0x6: {  	_ = 	snop  }
0x7: {  	_ = 	snop  }
__scs_overlays_trampoline_lowered:
0x8: {  	[smem:$0x3FA8] =	sst s0  }
0x9: {  	[smem:$0x3FA9] =	sst s1  }
0xa: {  	[smem:$0x3FAA] =	sst s2  }
0xb: {  	[smem:$0x3FAB] =	sst s3  }
0xc: {  	[smem:$0x3FAC] =	sst s4  }
0xd: {  	[smem:$0x3FAD] =	sst s5  }
0xe: {  	[smem:$0x3FAE] =	sst s6  }
0xf: {  	[smem:$0x3FAF] =	sst s7  }
0x10: {  	[smem:$0x3FB0] =	sst s8  }
0x11: {  	[smem:$0x3FB1] =	sst s9;
	s0 =	simm.s32 @!p0 $0x0  }
0x12: {  	s1 =	sld [smem:$0x3F97];
	s0 =	simm.s32 @p0 $0x1  }
0x13: {  	[smem:$0x3FB2] =	sst s0;
	s0 =	simm.s32 @!p1 $0x0  }
0x14: {  	s2 =	sld [smem:$0x3F96];
	s0 =	simm.s32 @p1 $0x1  }
0x15: {  	[smem:$0x3FB3] =	sst s0;
	s0 =	simm.s32 @!p2 $0x0  }
0x16: {  	s3 =	sld [smem:$0x3FDB];
	s0 =	simm.s32 @p2 $0x1  }
0x17: {  	s4 =	simm.s32 $0x1BF5;
	[smem:$0x3FB5] =	sst s0  }
0x18: {  	s0 =	sld [smem:$0x3F98];
	_ =	swait.ge [sflag:s4], $0x0  }
0x19: {  	s7 =	sld [smem:$0x3F99]  }
0x1a: {  	s8 =	sadd.s32 $0xFFFFE003, lr  }
0x1b: {  	s9 =	sadd.s32 $0xFFFFFEF7, lr;
	s5 =	simm.s32 $0xFFFFFFFF;
	p2 =	slt.u32 s8, $0xFFFFF086  }
0x1c: {  	p1 =	slt.u32 s9, $0xF7A;
	s5 =	simm.s32 @!p2 $0x0  }
0x1d: {  	s5 =	simm.s32 @p1 $0x1;
	p0 =	seq.s32 s7, s2  }
0x1e: {  	s7 =	smul.u32 @!p0 $0xF7A, s2;
	p2 =	seq.s32 @!p0 s5, $0x0  }
0x1f: {  	s9 =	smul.u32 $0xF7A, s1;
	s8 =	simm.s32 @!p0 $0x1BF5;
	p2 =	por !p2, p0  }
0x20: {  	[sflag:s8] =	ssyncset.s32 @!p0 $0xFFFFF086;
	s6 =	sadd.s32 @!p0 s3, s7;
	s7 =	simm.s32 @!p0 $0x108  }
0x21: {  	s3 =	sadd.s32 s3, s9;
	s6 =	sadd.s32 @!p0 $0x88, s6;
	s7 =	simm.s32 @p2 $0x1082  }
0x22: {  	[simem:s7], [sflag:s8] =	dma.local @!p0 [hbm:s6], $0xF7A  }
0x23: {  	s9 =	sor.u32 $0xD0000000, s2;
	s6 =	simm.s32 $0x108;
	_ =	swait.ge @!p0 [sflag:s8], $0x0  }
0x24: {  	s3 =	sadd.s32 $0x88, s3;
	s6 =	simm.s32 @!p1 $0x1082;
	[sflag:s4] =	ssyncset.s32 $0xFFFFF086  }
0x25: {  	[simem:s6], [sflag:s4] =	dma.local [hbm:s3], $0xF7A  }
0x26: {  	[smem:$0x3F99] =	sst s1;
	(tag) =	ssettag s2;
	_ =	strace s9  }
0x27: {  	s1 =	sld [smem:$0x3FA9]  }
0x28: {  	s2 =	sld [smem:$0x3FAA]  }
0x29: {  	s4 =	sld [smem:$0x3FAC]  }
0x2a: {  	p0 =	seq.s32 s5, $0x0;
	s5 =	sld [smem:$0x3FAD]  }
0x2b: {  	s6 =	sld [smem:$0x3FAE]  }
0x2c: {  	s7 =	sld [smem:$0x3FAF]  }
0x2d: {  	s3 =	simm.s32 $0x108;
	s8 =	sld [smem:$0x3FB0]  }
0x2e: {  	s3 =	simm.s32 @!p0 $0x1082;
	s9 =	sld [smem:$0x3FB1]  }
0x2f: {  	lr =	sadd.s32 s0, s3;
	s0 =	sld [smem:$0x3FA8]  }
0x30: {  	s3 =	sld [smem:$0x3FAB]  }
0x31: {  	[smem:$0x3FB4] =	sst s10  }
0x32: {  	s10 =	sld [smem:$0x3FB2];
	_ =	sdelay $0x3  }
0x33: {  	p0 =	seq.s32 s10, $0x1;
	s10 =	sld [smem:$0x3FB4];
	_ =	sdelay $0x3  }
0x34: {  	[smem:$0x3FB4] =	sst s10  }
0x35: {  	s10 =	sld [smem:$0x3FB3];
	_ =	sdelay $0x3  }
0x36: {  	p1 =	seq.s32 s10, $0x1;
	s10 =	sld [smem:$0x3FB4];
	_ =	sdelay $0x3  }
0x37: {  	[smem:$0x3FB4] =	sst s10  }
0x38: {  	s10 =	sld [smem:$0x3FB5]  }
0x39: {  	_ = 	snop;
	(pc) =	sbr.ind lr, $3  }
0x3a: {  	_ = 	snop  }
0x3b: {  	_ = 	snop  }
0x3c: {  	p2 =	seq.s32 s10, $0x1;
	s10 =	sld [smem:$0x3FB4]  }
0x3d: {  	_ =	shalt  }
0x3e: {  	_ =	shalt  }
0x3f: {  	_ =	shalt  }
0x40: {  	_ =	shalt  }
0x41: {  	_ =	shalt  }
0x42: {  	_ =	shalt  }
0x43: {  	_ =	shalt  }
0x44: {  	_ =	shalt  }
0x45: {  	_ =	shalt  }
0x46: {  	_ =	shalt  }
0x47: {  	_ =	shalt  }
0x48: {  	_ =	shalt  }
0x49: {  	_ =	shalt  }
0x4a: {  	_ =	shalt  }
0x4b: {  	_ =	shalt  }
0x4c: {  	_ =	shalt  }
0x4d: {  	_ =	shalt  }
0x4e: {  	_ =	shalt  }
0x4f: {  	_ =	shalt  }
0x50: {  	_ =	shalt  }
0x51: {  	_ =	shalt  }
0x52: {  	_ =	shalt  }
0x53: {  	_ =	shalt  }
0x54: {  	_ =	shalt  }
0x55: {  	_ =	shalt  }
0x56: {  	_ =	shalt  }
0x57: {  	_ =	shalt  }
0x58: {  	_ =	shalt  }
0x59: {  	_ =	shalt  }
0x5a: {  	_ =	shalt  }
0x5b: {  	_ =	shalt  }
0x5c: {  	_ =	shalt  }
0x5d: {  	_ =	shalt  }
0x5e: {  	_ =	shalt  }
0x5f: {  	_ =	shalt  }
0x60: {  	_ =	shalt  }
0x61: {  	_ =	shalt  }
0x62: {  	_ =	shalt  }
0x63: {  	_ =	shalt  }
0x64: {  	_ =	shalt  }
0x65: {  	_ =	shalt  }
0x66: {  	_ =	shalt  }
0x67: {  	_ =	shalt  }
0x68: {  	_ =	shalt  }
0x69: {  	_ =	shalt  }
0x6a: {  	_ =	shalt  }
0x6b: {  	_ =	shalt  }
0x6c: {  	_ =	shalt  }
0x6d: {  	_ =	shalt  }
0x6e: {  	_ =	shalt  }
0x6f: {  	_ =	shalt  }
0x70: {  	_ =	shalt  }
0x71: {  	_ =	shalt  }
0x72: {  	_ =	shalt  }
0x73: {  	_ =	shalt  }
0x74: {  	_ =	shalt  }
0x75: {  	_ =	shalt  }
0x76: {  	_ =	shalt  }
0x77: {  	_ =	shalt  }
0x78: {  	_ =	shalt  }
0x79: {  	_ =	shalt  }
0x7a: {  	_ =	shalt  }
0x7b: {  	_ =	shalt  }
0x7c: {  	_ =	shalt  }
0x7d: {  	_ =	shalt  }
0x7e: {  	_ =	shalt  }
0x7f: {  	_ =	shalt  }
0x80: {  	_ =	shalt  }
0x81: {  	_ =	shalt  }
0x82: {  	_ =	shalt  }
0x83: {  	_ =	shalt  }
0x84: {  	_ =	shalt  }
0x85: {  	_ =	shalt  }
0x86: {  	_ =	shalt  }
0x87: {  	_ =	shalt  }
.Lfunc_end0:
.L_simem_size_0:
called_computation_lowered:
.L_overlay_start_0:
0x88: {  	s2 =	sld [smem:$0x3FD9]  }
0x89: {  	s3 =	sld [smem:$0x3FFE];
	_ =	sdelay $0x1  }
0x8a: {  	s1 =	srdreg.scid  }
0x8b: {  	s0 =	sand.u32 $0x1, s1  }
0x8c: {  	s17 =	sshll.u32 s0, $0xA;
	s2 =	sadd.s32 s3, s2  }
0x8d: {  	s2 =	sadd.s32 s2, s17  }
0x8e: {  	[smem:$0x3FC0] =	sst s2  }
0x8f: {  	_ = 	snop  }
0x90: {  	s2 =	sld [smem:$0x3FC9]  }
0x91: {  	s18 =	sld [smem:$0x3FD0];
	(tm) =	ssettm $0x1  }
0x92: {  	s4 =	sld [smem:$0x3FFB];
	_ =	sdelay $0x3  }
0x93: {  	_ =	strace s4  }
0x94: {  	s4 =	sld [smem:$0x3FFC];
	_ =	sdelay $0x3  }
0x95: {  	_ =	strace s4  }
0x96: {  	s4 =	sld [smem:$0x3FFD];
	_ =	sdelay $0x3  }
0x97: {  	_ =	strace s4  }
0x98: {  	_ =	strace $0x8FFFFFFF  }
0x99: {  	s19 =	sld [smem:$0x3FDB];
	_ =	sdelay $0x1  }
0x9a: {  	s5 =	simm.s32 $_scs_section_size  }
0x9b: {  	s6 =	simm.s32 $_size__tile_overlayer_lowered;
	s7 =	simm.s32 $_tile_overlayer_lowered  }
0x9c: {  	s22 =	simm.s32 $0x1BFF;
	s21 =	sshll.u32 s7, $0x1;
	s4 =	sadd.s32 s5, s19  }
0x9d: {  	s8 =	simm.s32 $0x0;
	s20 =	sshll.u32 s6, $0x1;
	s6 =	sadd.s32 s21, s4  }
0x9e: {  	[timem:s8], [sflag:s22] =	dma.local [hbm:s6], s20  }
0x9f: {  	_ =	swait.ge [sflag:s22], s20  }
0xa0: {  	s5 =	ssub.s32 $0x0, s20;
	[sflag:s22] =	ssyncset.done $0x0  }
0xa1: {  	[sflag:s22] =	ssyncadd.s32 s5;
	_ =	sdelay $0x1  }
0xa2: {  	s23 =	simm.s32 $0x1B8B  }
0xa3: {  	_ =	swait.ge [sflag:s23], $0x1  }
0xa4: {  	[sflag:s23] =	ssyncset.done $0x0  }
0xa5: {  	s25 =	simm.s32 $0x1B8E;
	s24 =	sld [smem:$0x3FFE];
	[sflag:s23] =	ssyncadd.s32 $0xFFFFFFFF  }
0xa6: {  	s26 =	simm.s32 $execute0_lowered;
	[smem:$0x3FD2] =	sst s25  }
0xa7: {  	s6 =	sshll.u32 s26, $0x1;
	_ =	strace $0x80000046;
	[dreg:$0x1] =	wrdreg $0xFFFFFFFF  }
0xa8: {  	s28 =	simm.s32 $_size_execute0_lowered;
	s4 =	sadd.s32 s4, s6;
	[dreg:$0x0] =	wrdreg $0x0  }
0xa9: {  	s6 =	sshll.u32 s28, $0x1;
	[dreg:$0x2] =	wrdreg s4  }
0xaa: {  	[dreg:$0x3] =	wrdreg s6  }
0xab: {  	[dreg:$0x4] =	wrdreg $0xC0  }
0xac: {  	_ =	task [dreg:s8], $0x5FFFF  }
0xad: {  	[dreg:$0x1] =	wrdreg $0xFFFFFFFF  }
0xae: {  	[dreg:$0x0] =	wrdreg $0x60  }
0xaf: {  	[dreg:$0x2] =	wrdreg s2  }
0xb0: {  	[dreg:$0x3] =	wrdreg s24  }
0xb1: {  	[dreg:$0x4] =	wrdreg s18  }
0xb2: {  	[dreg:$0x5] =	wrdreg $0x9  }
0xb3: {  	_ =	task.clear_ibuf [dreg:s8], $0x6FFFF;
	_ =	strace $0x90000046  }
0xb4: {  	s29 =	simm.s32 $0x9;
	_ =	strace $0x80000048  }
0xb5: {  	_ =	swait.ge [sflag:s29], $0x1  }
0xb6: {  	[sflag:s29] =	ssyncadd.s32 $0xFFFFFFFF  }
0xb7: {  	_ =	strace $0x90000048  }
0xb8: {  	_ =	sfence  }
0xb9: {  	s30 =	sld [smem:$0x0];
	_ =	sdelay $0x2  }
0xba: {  	s31 =	sshll.u32 s1, $0xD;
	s1 =	sshrl.u32 s1, $0x2  }
0xbb: {  	s3 =	sand.u32 $0x4000, s31;
	s1 =	sadd.s32 s1, s30  }
0xbc: {  	s0 =	sor.u32 s3, s0;
	s1 =	sshll.u32 s1, $0x11  }
0xbd: {  	s0 =	sor.u32 s1, s0  }
0xbe: {  	s0 =	sadd.s32 $0x8F2B, s0  }
0xbf: {  	[sflag:s0] =	ssyncadd.remote.s32 $0x1  }
0xc0: {  	_ =	sfence.sel $0xFFFF  }
0xc1: {  	[dreg:$0x0] =	wrdreg $0xFFFFFFFF;
	(pc) =	sbr.abs _section_cstart, $3  }
0xc2: {  	[dreg:$0x1] =	wrdreg $0xFFFFFFFF  }
0xc3: {  	_ =	task.clear_ibuf [dreg:s8], $0x2FFFF;
	_ =	strace $0x9FFFFFFF  }
0xc4: {  	(tm) =	ssettm $0x7FFFFFFF  }
0xc5: {  	_ =	shalt  }
tec
execute0_lowered:
.L_overlay_start_1:
0x0: {  	(tag) =	ssettag $0x1  }
0x1: {  	s1 =	rddreg [dreg:$0x0]  }
0x2: {  	s2 =	srdreg.scid;
	s0 =	stileid.u32  }
0x3: {  	s4 =	rddreg [dreg:$0x1];
	s2 =	sand.u32 $0x1, s2;
	s3 =	sshll.u32 s0, $0x1  }
0x4: {  	s5 =	rddreg [dreg:$0x2];
	s6 =	sor.u32 s2, s3;
	s3 =	simm.s32 $0x0  }
0x5: {  	s18 =	simm.s32 $0x8A00;
	[smem:$0x7FF] =	sst s3  }
0x6: {  	s19 =	simm.s32 $0x9200;
	_ =	strace $0x80000047;
	[dreg:$0x8] =	wrdreg s18  }
0x7: {  	s20 =	simm.s32 $0x9A00;
	[dreg:$0x9] =	wrdreg s19  }
0x8: {  	s21 =	simm.s32 $0xA200;
	[dreg:$0xa] =	wrdreg s20  }
0x9: {  	s22 =	simm.s32 $0xAA00;
	s23 =	simm.s32 $0xB200;
	[dreg:$0xb] =	wrdreg s21  }
0xa: {  	s24 =	simm.s32 $0xBA00;
	s25 =	simm.s32 $0xC200;
	[dreg:$0xc] =	wrdreg s22  }
0xb: {  	s26 =	simm.s32 $0xCA00;
	s8 =	simm.s32 $0xE200;
	[dreg:$0xd] =	wrdreg s23  }
0xc: {  	s9 =	simm.s32 $0xEA00;
	s10 =	simm.s32 $0xF200;
	[dreg:$0xe] =	wrdreg s24  }
0xd: {  	s11 =	simm.s32 $0xFA00;
	s12 =	simm.s32 $0x10A00;
	[dreg:$0xf] =	wrdreg s25  }
0xe: {  	s13 =	simm.s32 $0x11200;
	s14 =	simm.s32 $0x11A00;
	[dreg:$0x10] =	wrdreg s26  }
0xf: {  	s28 =	simm.s32 $0x2;
	s29 =	simm.s32 $0x4;
	[dreg:$0x13] =	wrdreg s8  }
0x10: {  	s30 =	simm.s32 $0x3;
	s31 =	simm.s32 $0x5;
	[dreg:$0x14] =	wrdreg s9  }
0x11: {  	s2 =	ssub.s32 $0x2, s2;
	s7 =	sshll.u32 s6, $0x6;
	[dreg:$0x15] =	wrdreg s10  }
0x12: {  	s6 =	sshll.u32 s6, $0xE;
	s0 =	sshrl.u32 s2, $0x1;
	[dreg:$0x16] =	wrdreg s11  }
0x13: {  	s4 =	sadd.s32 s7, s4;
	s15 =	sadd.s32 s5, s6;
	[dreg:$0x17] =	wrdreg s12  }
0x14: {  	s2 =	ssub.s32 s2, s0;
	s8 =	simm.s32 $0x200;
	[dreg:$0x18] =	wrdreg s13  }
0x15: {  	s9 =	simm.s32 $0xA00;
	s10 =	simm.s32 $0x1200;
	[dreg:$0x19] =	wrdreg s14  }
0x16: {  	s11 =	simm.s32 $0x1A00;
	s18 =	simm.s32 $0x13A00;
	[smem:$0x7F7] =	sst s15  }
0x17: {  	s12 =	simm.s32 $0x2200;
	s19 =	simm.s32 $0x14200;
	[dreg:$0x1d] =	wrdreg s18  }
0x18: {  	s13 =	simm.s32 $0x2A00;
	s20 =	simm.s32 $0x14A00;
	[dreg:$0x1e] =	wrdreg s19  }
0x19: {  	s14 =	simm.s32 $0x3200;
	s21 =	simm.s32 $0x15200;
	[dreg:$0x1f] =	wrdreg s20  }
0x1a: {  	s22 =	simm.s32 $0x15A00;
	s23 =	simm.s32 $0x16200;
	[smem:$0x7F8] =	sst s21  }
0x1b: {  	s24 =	simm.s32 $0x16A00;
	s25 =	simm.s32 $0x17200;
	[smem:$0x7F9] =	sst s22  }
0x1c: {  	s26 =	simm.s32 $0x17A00;
	s7 =	sadd.s32 $0x800, s4;
	[smem:$0x7FA] =	sst s23  }
0x1d: {  	s5 =	sadd.s32 $0x1000, s15;
	s16 =	sadd.s32 $0x2000, s15;
	[smem:$0x7FB] =	sst s24  }
0x1e: {  	s17 =	sadd.s32 $0x3000, s15;
	s4 =	simm.s32 $0xD200;
	[smem:$0x7FC] =	sst s25  }
0x1f: {  	s6 =	smax.u32 s2, $0x1;
	s15 =	simm.s32 $0x12200;
	[smem:$0x7FD] =	sst s26  }
0x20: {  	s18 =	simm.s32 $0x5200;
	s19 =	simm.s32 $0x5A00;
	[dreg:$0x4] =	wrdreg s7  }
0x21: {  	s20 =	simm.s32 $0x6200;
	s21 =	simm.s32 $0x6A00;
	[dreg:$0x5] =	wrdreg s5  }
0x22: {  	s22 =	simm.s32 $0x7200;
	s23 =	simm.s32 $0x7A00;
	[dreg:$0x6] =	wrdreg s16  }
0x23: {  	s24 =	simm.s32 $0x8200;
	s25 =	simm.s32 $0x1;
	[dreg:$0x7] =	wrdreg s17  }
0x24: {  	s26 =	simm.s32 $0x10200;
	s2 =	simm.s32 $0x6;
	[dreg:$0x11] =	wrdreg s4  }
0x25: {  	s7 =	simm.s32 $0xDA00;
	s5 =	sadd.s32 $0x100, s1;
	[dreg:$0x1a] =	wrdreg s15  }
0x26: {  	v2 =	vlaneseq.u32;
	s16 =	simm.s32 $0x12A00;
	s17 =	simm.s32 $0x13200;
	[dreg:$0x12] =	wrdreg s7  }
0x27: {  	vm0 =	vmmov $0xffff;
	v1 =	vshrl.u32 v2, $0x3;
	s15 =	simm.s32 $0x3A00;
	s7 =	simm.s32 $0x7;
	[dreg:$0x1b] =	wrdreg s16  }
0x28: {  	v0 =	vand.u32 $0x7, v2;
	v2 =	vor.u32 $0x8, v2;
	v1 =	vmul.u32 $0x8, v1;
	[dreg:$0x1c] =	wrdreg s17;
	s16 =	simm.s32 $0x4200;
	s17 =	simm.s32 $0x4A00  }
.LBB2_1:
0x29: {  	s0 =	rddreg [dreg:$0x4]  }
0x2a: {  	[tilespmem:s3], [sflag:$0x7] =	stream.linear.gather [hbm4b:s0+s3], $0x200, $0x38;
	[tilespmem:$0x18200] =	vst v63  }
0x2b: {  	_ =	swait.ge [sflag:s7], $0x200  }
0x2c: {  	[sflag:s7] =	ssyncset.done $0x0  }
0x2d: {  	[sflag:s7] =	ssyncadd.s32 $0xFFFFFE00  }
0x2e: {  	v3 =	vld [tilespmem:$0x0];
	_ =	sdelay $0x4  }
0x2f: {  	v4 =	vshll.u32 v3, $0x2  }
0x30: {  	v3 =	vand.u32 $0x7, v3;
	v4 =	vand.u32 $0xFFFFFFE0, v4  }
0x31: {  	v3 =	vor.u32 v3, v4  }
0x32: {  	v4 =	vperm.xlane v3, v0;
	_ =	sdelay $0x1  }
0x33: {  	v4 =	vadd.s32 v1, v4;
	_ =	sdelay $0x1  }
0x34: {  	v3 =	vperm.xlane v3, v2;
	_ =	sdelay $0x1  }
0x35: {  	v3 =	vadd.s32 v1, v3  }
0x36: {  	[tilespmem:s8], [sflag:$0x1] =	stream.indirect_vreg.gather [hbm4b:s1+s3], $0x80, v4, vm0, $0xb8;
	[tilespmem:$0x18200] =	vst v63  }
0x37: {  	_ = 	snop  }
0x38: {  	[tilespmem:s9], [sflag:$0x1] =	stream.indirect_vreg.gather [hbm4b:s5+s3], $0x80, v4, vm0, $0xb8;
	[tilespmem:$0x18200] =	vst v63  }
0x39: {  	_ = 	snop  }
0x3a: {  	[tilespmem:s10], [sflag:$0x1] =	stream.indirect_vreg.gather [hbm4b:s1+s3], $0x80, v3, vm0, $0xb8;
	[tilespmem:$0x18200] =	vst v63  }
0x3b: {  	_ = 	snop  }
0x3c: {  	[tilespmem:s11], [sflag:$0x1] =	stream.indirect_vreg.gather [hbm4b:s5+s3], $0x80, v3, vm0, $0xb8;
	[tilespmem:$0x18200] =	vst v63  }
0x3d: {  	v3 =	vld [tilespmem:$0x10];
	_ =	sdelay $0x4  }
0x3e: {  	v49 =	vshll.u32 v3, $0x2  }
0x3f: {  	v3 =	vand.u32 $0x7, v3;
	v4 =	vand.u32 $0xFFFFFFE0, v49  }
0x40: {  	v3 =	vor.u32 v3, v4  }
0x41: {  	v4 =	vperm.xlane v3, v0;
	_ =	sdelay $0x1  }
0x42: {  	v4 =	vadd.s32 v1, v4;
	_ =	sdelay $0x1  }
0x43: {  	v3 =	vperm.xlane v3, v2;
	_ =	sdelay $0x1  }
0x44: {  	v3 =	vadd.s32 v1, v3  }
0x45: {  	[tilespmem:s12], [sflag:$0x1] =	stream.indirect_vreg.gather [hbm4b:s1+s3], $0x80, v4, vm0, $0xb8;
	[tilespmem:$0x18200] =	vst v63  }
0x46: {  	_ = 	snop  }
0x47: {  	[tilespmem:s13], [sflag:$0x1] =	stream.indirect_vreg.gather [hbm4b:s5+s3], $0x80, v4, vm0, $0xb8;
	[tilespmem:$0x18200] =	vst v63  }
0x48: {  	_ = 	snop  }
0x49: {  	[tilespmem:s14], [sflag:$0x1] =	stream.indirect_vreg.gather [hbm4b:s1+s3], $0x80, v3, vm0, $0xb8;
	[tilespmem:$0x18200] =	vst v63  }
0x4a: {  	_ = 	snop  }
0x4b: {  	[tilespmem:s15], [sflag:$0x1] =	stream.indirect_vreg.gather [hbm4b:s5+s3], $0x80, v3, vm0, $0xb8;
	[tilespmem:$0x18200] =	vst v63  }
0x4c: {  	v3 =	vld [tilespmem:$0x20];
	_ =	sdelay $0x4  }
0x4d: {  	v50 =	vshll.u32 v3, $0x2  }
0x4e: {  	v3 =	vand.u32 $0x7, v3;
	v4 =	vand.u32 $0xFFFFFFE0, v50  }
0x4f: {  	v3 =	vor.u32 v3, v4  }
0x50: {  	v4 =	vperm.xlane v3, v0;
	_ =	sdelay $0x1  }
0x51: {  	v4 =	vadd.s32 v1, v4;
	_ =	sdelay $0x1  }
0x52: {  	v3 =	vperm.xlane v3, v2;
	_ =	sdelay $0x1  }
0x53: {  	v3 =	vadd.s32 v1, v3  }
0x54: {  	[tilespmem:s16], [sflag:$0x1] =	stream.indirect_vreg.gather [hbm4b:s1+s3], $0x80, v4, vm0, $0xb8;
	[tilespmem:$0x18200] =	vst v63  }
0x55: {  	_ = 	snop  }
0x56: {  	[tilespmem:s17], [sflag:$0x1] =	stream.indirect_vreg.gather [hbm4b:s5+s3], $0x80, v4, vm0, $0xb8;
	[tilespmem:$0x18200] =	vst v63  }
0x57: {  	_ = 	snop  }
0x58: {  	[tilespmem:s18], [sflag:$0x1] =	stream.indirect_vreg.gather [hbm4b:s1+s3], $0x80, v3, vm0, $0xb8;
	[tilespmem:$0x18200] =	vst v63  }
0x59: {  	_ = 	snop  }
0x5a: {  	[tilespmem:s19], [sflag:$0x1] =	stream.indirect_vreg.gather [hbm4b:s5+s3], $0x80, v3, vm0, $0xb8;
	[tilespmem:$0x18200] =	vst v63  }
0x5b: {  	v3 =	vld [tilespmem:$0x30];
	_ =	sdelay $0x4  }
0x5c: {  	v51 =	vshll.u32 v3, $0x2  }
0x5d: {  	v3 =	vand.u32 $0x7, v3;
	v4 =	vand.u32 $0xFFFFFFE0, v51  }
0x5e: {  	v3 =	vor.u32 v3, v4  }
0x5f: {  	v4 =	vperm.xlane v3, v0;
	_ =	sdelay $0x1  }
0x60: {  	v4 =	vadd.s32 v1, v4;
	_ =	sdelay $0x1  }
0x61: {  	v3 =	vperm.xlane v3, v2;
	_ =	sdelay $0x1  }
0x62: {  	v3 =	vadd.s32 v1, v3  }
0x63: {  	[tilespmem:s20], [sflag:$0x1] =	stream.indirect_vreg.gather [hbm4b:s1+s3], $0x80, v4, vm0, $0xb8;
	[tilespmem:$0x18200] =	vst v63  }
0x64: {  	_ = 	snop  }
0x65: {  	[tilespmem:s21], [sflag:$0x1] =	stream.indirect_vreg.gather [hbm4b:s5+s3], $0x80, v4, vm0, $0xb8;
	[tilespmem:$0x18200] =	vst v63  }
0x66: {  	_ = 	snop  }
0x67: {  	[tilespmem:s22], [sflag:$0x1] =	stream.indirect_vreg.gather [hbm4b:s1+s3], $0x80, v3, vm0, $0xb8;
	[tilespmem:$0x18200] =	vst v63  }
0x68: {  	_ = 	snop  }
0x69: {  	[tilespmem:s23], [sflag:$0x1] =	stream.indirect_vreg.gather [hbm4b:s5+s3], $0x80, v3, vm0, $0xb8;
	[tilespmem:$0x18200] =	vst v63  }
0x6a: {  	v3 =	vld [tilespmem:$0x80];
	_ =	sdelay $0x4  }
0x6b: {  	v52 =	vshll.u32 v3, $0x2  }
0x6c: {  	v3 =	vand.u32 $0x7, v3;
	v4 =	vand.u32 $0xFFFFFFE0, v52  }
0x6d: {  	v3 =	vor.u32 v3, v4  }
0x6e: {  	v4 =	vperm.xlane v3, v0;
	_ =	sdelay $0x1  }
0x6f: {  	v4 =	vadd.s32 v1, v4;
	_ =	sdelay $0x1  }
0x70: {  	v3 =	vperm.xlane v3, v2;
	_ =	sdelay $0x1  }
0x71: {  	v3 =	vadd.s32 v1, v3  }
0x72: {  	[tilespmem:s24], [sflag:$0x2] =	stream.indirect_vreg.gather [hbm4b:s1+s3], $0x80, v4, vm0, $0xb8;
	[tilespmem:$0x18200] =	vst v63  }
0x73: {  	s0 =	rddreg [dreg:$0x8]  }
0x74: {  	[tilespmem:s0], [sflag:$0x2] =	stream.indirect_vreg.gather [hbm4b:s5+s3], $0x80, v4, vm0, $0xb8;
	[tilespmem:$0x18200] =	vst v63  }
0x75: {  	s4 =	rddreg [dreg:$0x9]  }
0x76: {  	[tilespmem:s4], [sflag:$0x2] =	stream.indirect_vreg.gather [hbm4b:s1+s3], $0x80, v3, vm0, $0xb8;
	[tilespmem:$0x18200] =	vst v63  }
0x77: {  	s0 =	rddreg [dreg:$0xa]  }
0x78: {  	[tilespmem:s0], [sflag:$0x2] =	stream.indirect_vreg.gather [hbm4b:s5+s3], $0x80, v3, vm0, $0xb8;
	[tilespmem:$0x18200] =	vst v63  }
0x79: {  	v3 =	vld [tilespmem:$0x90];
	_ =	sdelay $0x4  }
0x7a: {  	v53 =	vshll.u32 v3, $0x2  }
0x7b: {  	v3 =	vand.u32 $0x7, v3;
	v4 =	vand.u32 $0xFFFFFFE0, v53  }
0x7c: {  	v3 =	vor.u32 v3, v4  }
0x7d: {  	v4 =	vperm.xlane v3, v0;
	_ =	sdelay $0x1  }
0x7e: {  	v4 =	vadd.s32 v1, v4;
	_ =	sdelay $0x1  }
0x7f: {  	v3 =	vperm.xlane v3, v2;
	_ =	sdelay $0x1  }
0x80: {  	s0 =	rddreg [dreg:$0xb];
	v3 =	vadd.s32 v1, v3  }
0x81: {  	[tilespmem:s0], [sflag:$0x2] =	stream.indirect_vreg.gather [hbm4b:s1+s3], $0x80, v4, vm0, $0xb8;
	[tilespmem:$0x18200] =	vst v63  }
0x82: {  	s4 =	rddreg [dreg:$0xc]  }
0x83: {  	[tilespmem:s4], [sflag:$0x2] =	stream.indirect_vreg.gather [hbm4b:s5+s3], $0x80, v4, vm0, $0xb8;
	[tilespmem:$0x18200] =	vst v63  }
0x84: {  	s0 =	rddreg [dreg:$0xd]  }
0x85: {  	[tilespmem:s0], [sflag:$0x2] =	stream.indirect_vreg.gather [hbm4b:s1+s3], $0x80, v3, vm0, $0xb8;
	[tilespmem:$0x18200] =	vst v63  }
0x86: {  	s4 =	rddreg [dreg:$0xe]  }
0x87: {  	[tilespmem:s4], [sflag:$0x2] =	stream.indirect_vreg.gather [hbm4b:s5+s3], $0x80, v3, vm0, $0xb8;
	[tilespmem:$0x18200] =	vst v63  }
0x88: {  	v3 =	vld [tilespmem:$0xA0];
	_ =	sdelay $0x4  }
0x89: {  	v54 =	vshll.u32 v3, $0x2  }
0x8a: {  	v3 =	vand.u32 $0x7, v3;
	v4 =	vand.u32 $0xFFFFFFE0, v54  }
0x8b: {  	v3 =	vor.u32 v3, v4  }
0x8c: {  	v4 =	vperm.xlane v3, v0;
	_ =	sdelay $0x1  }
0x8d: {  	v4 =	vadd.s32 v1, v4;
	_ =	sdelay $0x1  }
0x8e: {  	v3 =	vperm.xlane v3, v2;
	_ =	sdelay $0x1  }
0x8f: {  	s0 =	rddreg [dreg:$0xf];
	v3 =	vadd.s32 v1, v3  }
0x90: {  	[tilespmem:s0], [sflag:$0x2] =	stream.indirect_vreg.gather [hbm4b:s1+s3], $0x80, v4, vm0, $0xb8;
	[tilespmem:$0x18200] =	vst v63  }
0x91: {  	s4 =	rddreg [dreg:$0x10]  }
0x92: {  	[tilespmem:s4], [sflag:$0x2] =	stream.indirect_vreg.gather [hbm4b:s5+s3], $0x80, v4, vm0, $0xb8;
	[tilespmem:$0x18200] =	vst v63  }
0x93: {  	s0 =	rddreg [dreg:$0x11]  }
0x94: {  	[tilespmem:s0], [sflag:$0x2] =	stream.indirect_vreg.gather [hbm4b:s1+s3], $0x80, v3, vm0, $0xb8;
	[tilespmem:$0x18200] =	vst v63  }
0x95: {  	s4 =	rddreg [dreg:$0x12]  }
0x96: {  	[tilespmem:s4], [sflag:$0x2] =	stream.indirect_vreg.gather [hbm4b:s5+s3], $0x80, v3, vm0, $0xb8;
	[tilespmem:$0x18200] =	vst v63  }
0x97: {  	v3 =	vld [tilespmem:$0xB0];
	_ =	sdelay $0x4  }
0x98: {  	v55 =	vshll.u32 v3, $0x2  }
0x99: {  	v3 =	vand.u32 $0x7, v3;
	v4 =	vand.u32 $0xFFFFFFE0, v55  }
0x9a: {  	v3 =	vor.u32 v3, v4  }
0x9b: {  	v4 =	vperm.xlane v3, v0;
	_ =	sdelay $0x1  }
0x9c: {  	v4 =	vadd.s32 v1, v4;
	_ =	sdelay $0x1  }
0x9d: {  	v3 =	vperm.xlane v3, v2;
	_ =	sdelay $0x1  }
0x9e: {  	s0 =	rddreg [dreg:$0x13];
	v3 =	vadd.s32 v1, v3  }
0x9f: {  	[tilespmem:s0], [sflag:$0x2] =	stream.indirect_vreg.gather [hbm4b:s1+s3], $0x80, v4, vm0, $0xb8;
	[tilespmem:$0x18200] =	vst v63  }
0xa0: {  	s4 =	rddreg [dreg:$0x14]  }
0xa1: {  	[tilespmem:s4], [sflag:$0x2] =	stream.indirect_vreg.gather [hbm4b:s5+s3], $0x80, v4, vm0, $0xb8;
	[tilespmem:$0x18200] =	vst v63  }
0xa2: {  	s0 =	rddreg [dreg:$0x15]  }
0xa3: {  	[tilespmem:s0], [sflag:$0x2] =	stream.indirect_vreg.gather [hbm4b:s1+s3], $0x80, v3, vm0, $0xb8;
	[tilespmem:$0x18200] =	vst v63  }
0xa4: {  	s4 =	rddreg [dreg:$0x16]  }
0xa5: {  	[tilespmem:s4], [sflag:$0x2] =	stream.indirect_vreg.gather [hbm4b:s5+s3], $0x80, v3, vm0, $0xb8;
	[tilespmem:$0x18200] =	vst v63  }
0xa6: {  	_ =	swait.ge [sflag:s25], $0x8000  }
0xa7: {  	s4 =	sld [smem:$0x7F7]  }
0xa8: {  	[sflag:s25] =	ssyncset.done $0x0  }
0xa9: {  	[sflag:s25] =	ssyncadd.s32 $0xFFFF8000  }
0xaa: {  	[hbm4b:s4+s3] =	stream.linear.scatter [tilespmem:s8], [sflag:$0x4], $0x8000, $0x38;
	[tilespmem:$0x18200] =	vst v63  }
0xab: {  	v3 =	vld [tilespmem:$0x100];
	_ =	sdelay $0x4  }
0xac: {  	v56 =	vshll.u32 v3, $0x2  }
0xad: {  	v3 =	vand.u32 $0x7, v3;
	v4 =	vand.u32 $0xFFFFFFE0, v56  }
0xae: {  	v3 =	vor.u32 v3, v4  }
0xaf: {  	v4 =	vperm.xlane v3, v0;
	_ =	sdelay $0x1  }
0xb0: {  	v4 =	vadd.s32 v1, v4;
	_ =	sdelay $0x1  }
0xb1: {  	v3 =	vperm.xlane v3, v2;
	_ =	sdelay $0x1  }
0xb2: {  	v3 =	vadd.s32 v1, v3  }
0xb3: {  	[tilespmem:s26], [sflag:$0x3] =	stream.indirect_vreg.gather [hbm4b:s1+s3], $0x80, v4, vm0, $0xb8;
	[tilespmem:$0x18200] =	vst v63  }
0xb4: {  	s0 =	rddreg [dreg:$0x17]  }
0xb5: {  	[tilespmem:s0], [sflag:$0x3] =	stream.indirect_vreg.gather [hbm4b:s5+s3], $0x80, v4, vm0, $0xb8;
	[tilespmem:$0x18200] =	vst v63  }
0xb6: {  	s4 =	rddreg [dreg:$0x18]  }
0xb7: {  	[tilespmem:s4], [sflag:$0x3] =	stream.indirect_vreg.gather [hbm4b:s1+s3], $0x80, v3, vm0, $0xb8;
	[tilespmem:$0x18200] =	vst v63  }
0xb8: {  	s0 =	rddreg [dreg:$0x19]  }
0xb9: {  	[tilespmem:s0], [sflag:$0x3] =	stream.indirect_vreg.gather [hbm4b:s5+s3], $0x80, v3, vm0, $0xb8;
	[tilespmem:$0x18200] =	vst v63  }
0xba: {  	v3 =	vld [tilespmem:$0x110];
	_ =	sdelay $0x4  }
0xbb: {  	v57 =	vshll.u32 v3, $0x2  }
0xbc: {  	v3 =	vand.u32 $0x7, v3;
	v4 =	vand.u32 $0xFFFFFFE0, v57  }
0xbd: {  	v3 =	vor.u32 v3, v4  }
0xbe: {  	v4 =	vperm.xlane v3, v0;
	_ =	sdelay $0x1  }
0xbf: {  	v4 =	vadd.s32 v1, v4;
	_ =	sdelay $0x1  }
0xc0: {  	v3 =	vperm.xlane v3, v2;
	_ =	sdelay $0x1  }
0xc1: {  	s0 =	rddreg [dreg:$0x1a];
	v3 =	vadd.s32 v1, v3  }
0xc2: {  	[tilespmem:s0], [sflag:$0x3] =	stream.indirect_vreg.gather [hbm4b:s1+s3], $0x80, v4, vm0, $0xb8;
	[tilespmem:$0x18200] =	vst v63  }
0xc3: {  	s4 =	rddreg [dreg:$0x1b]  }
0xc4: {  	[tilespmem:s4], [sflag:$0x3] =	stream.indirect_vreg.gather [hbm4b:s5+s3], $0x80, v4, vm0, $0xb8;
	[tilespmem:$0x18200] =	vst v63  }
0xc5: {  	s0 =	rddreg [dreg:$0x1c]  }
0xc6: {  	[tilespmem:s0], [sflag:$0x3] =	stream.indirect_vreg.gather [hbm4b:s1+s3], $0x80, v3, vm0, $0xb8;
	[tilespmem:$0x18200] =	vst v63  }
0xc7: {  	s4 =	rddreg [dreg:$0x1d]  }
0xc8: {  	[tilespmem:s4], [sflag:$0x3] =	stream.indirect_vreg.gather [hbm4b:s5+s3], $0x80, v3, vm0, $0xb8;
	[tilespmem:$0x18200] =	vst v63  }
0xc9: {  	v3 =	vld [tilespmem:$0x120];
	_ =	sdelay $0x4  }
0xca: {  	v58 =	vshll.u32 v3, $0x2  }
0xcb: {  	v3 =	vand.u32 $0x7, v3;
	v4 =	vand.u32 $0xFFFFFFE0, v58  }
0xcc: {  	v3 =	vor.u32 v3, v4  }
0xcd: {  	v4 =	vperm.xlane v3, v0;
	_ =	sdelay $0x1  }
0xce: {  	v4 =	vadd.s32 v1, v4;
	_ =	sdelay $0x1  }
0xcf: {  	v3 =	vperm.xlane v3, v2  }
0xd0: {  	s0 =	rddreg [dreg:$0x1e]  }
0xd1: {  	s4 =	rddreg [dreg:$0x1f];
	v3 =	vadd.s32 v1, v3  }
0xd2: {  	[tilespmem:s0], [sflag:$0x3] =	stream.indirect_vreg.gather [hbm4b:s1+s3], $0x80, v4, vm0, $0xb8;
	[tilespmem:$0x18200] =	vst v63  }
0xd3: {  	s0 =	sld [smem:$0x7F8]  }
0xd4: {  	[tilespmem:s4], [sflag:$0x3] =	stream.indirect_vreg.gather [hbm4b:s5+s3], $0x80, v4, vm0, $0xb8;
	[tilespmem:$0x18200] =	vst v63  }
0xd5: {  	s4 =	sld [smem:$0x7F9]  }
0xd6: {  	[tilespmem:s0], [sflag:$0x3] =	stream.indirect_vreg.gather [hbm4b:s1+s3], $0x80, v3, vm0, $0xb8;
	[tilespmem:$0x18200] =	vst v63  }
0xd7: {  	_ = 	snop  }
0xd8: {  	[tilespmem:s4], [sflag:$0x3] =	stream.indirect_vreg.gather [hbm4b:s5+s3], $0x80, v3, vm0, $0xb8;
	[tilespmem:$0x18200] =	vst v63  }
0xd9: {  	v3 =	vld [tilespmem:$0x130];
	_ =	sdelay $0x4  }
0xda: {  	v59 =	vshll.u32 v3, $0x2  }
0xdb: {  	v3 =	vand.u32 $0x7, v3;
	v4 =	vand.u32 $0xFFFFFFE0, v59  }
0xdc: {  	v3 =	vor.u32 v3, v4  }
0xdd: {  	v4 =	vperm.xlane v3, v0;
	_ =	sdelay $0x1  }
0xde: {  	v4 =	vadd.s32 v1, v4;
	_ =	sdelay $0x1  }
0xdf: {  	s0 =	sld [smem:$0x7FA];
	v3 =	vperm.xlane v3, v2;
	_ =	sdelay $0x1  }
0xe0: {  	s4 =	sld [smem:$0x7FB];
	v3 =	vadd.s32 v1, v3  }
0xe1: {  	[tilespmem:s0], [sflag:$0x3] =	stream.indirect_vreg.gather [hbm4b:s1+s3], $0x80, v4, vm0, $0xb8;
	[tilespmem:$0x18200] =	vst v63  }
0xe2: {  	s0 =	sld [smem:$0x7FC]  }
0xe3: {  	[tilespmem:s4], [sflag:$0x3] =	stream.indirect_vreg.gather [hbm4b:s5+s3], $0x80, v4, vm0, $0xb8;
	[tilespmem:$0x18200] =	vst v63  }
0xe4: {  	s4 =	sld [smem:$0x7FD]  }
0xe5: {  	[tilespmem:s0], [sflag:$0x3] =	stream.indirect_vreg.gather [hbm4b:s1+s3], $0x80, v3, vm0, $0xb8;
	[tilespmem:$0x18200] =	vst v63  }
0xe6: {  	_ = 	snop  }
0xe7: {  	[tilespmem:s4], [sflag:$0x3] =	stream.indirect_vreg.gather [hbm4b:s5+s3], $0x80, v3, vm0, $0xb8;
	[tilespmem:$0x18200] =	vst v63  }
0xe8: {  	_ =	swait.ge [sflag:s28], $0x8000  }
0xe9: {  	[sflag:s28] =	ssyncset.done $0x0  }
0xea: {  	s4 =	rddreg [dreg:$0x5];
	[sflag:s28] =	ssyncadd.s32 $0xFFFF8000  }
0xeb: {  	[hbm4b:s4+s3] =	stream.linear.scatter [tilespmem:s24], [sflag:$0x5], $0x8000, $0x38;
	[tilespmem:$0x18200] =	vst v63  }
0xec: {  	_ =	swait.ge [sflag:s29], $0x8000  }
0xed: {  	[sflag:s29] =	ssyncset.done $0x0  }
0xee: {  	[sflag:s29] =	ssyncadd.s32 $0xFFFF8000  }
0xef: {  	v3 =	vld [tilespmem:$0x180];
	_ =	sdelay $0x4  }
0xf0: {  	v60 =	vshll.u32 v3, $0x2  }
0xf1: {  	v3 =	vand.u32 $0x7, v3;
	v4 =	vand.u32 $0xFFFFFFE0, v60  }
0xf2: {  	v3 =	vor.u32 v3, v4  }
0xf3: {  	v4 =	vperm.xlane v3, v0;
	_ =	sdelay $0x1  }
0xf4: {  	v4 =	vadd.s32 v1, v4;
	_ =	sdelay $0x1  }
0xf5: {  	v3 =	vperm.xlane v3, v2;
	_ =	sdelay $0x1  }
0xf6: {  	v3 =	vadd.s32 v1, v3  }
0xf7: {  	[tilespmem:s8], [sflag:$0x1] =	stream.indirect_vreg.gather [hbm4b:s1+s3], $0x80, v4, vm0, $0xb8;
	[tilespmem:$0x18200] =	vst v63  }
0xf8: {  	_ = 	snop  }
0xf9: {  	[tilespmem:s9], [sflag:$0x1] =	stream.indirect_vreg.gather [hbm4b:s5+s3], $0x80, v4, vm0, $0xb8;
	[tilespmem:$0x18200] =	vst v63  }
0xfa: {  	_ = 	snop  }
0xfb: {  	[tilespmem:s10], [sflag:$0x1] =	stream.indirect_vreg.gather [hbm4b:s1+s3], $0x80, v3, vm0, $0xb8;
	[tilespmem:$0x18200] =	vst v63  }
0xfc: {  	_ = 	snop  }
0xfd: {  	[tilespmem:s11], [sflag:$0x1] =	stream.indirect_vreg.gather [hbm4b:s5+s3], $0x80, v3, vm0, $0xb8;
	[tilespmem:$0x18200] =	vst v63  }
0xfe: {  	v3 =	vld [tilespmem:$0x190];
	_ =	sdelay $0x4  }
0xff: {  	v61 =	vshll.u32 v3, $0x2  }
0x100: {  	v3 =	vand.u32 $0x7, v3;
	v4 =	vand.u32 $0xFFFFFFE0, v61  }
0x101: {  	v3 =	vor.u32 v3, v4  }
0x102: {  	v4 =	vperm.xlane v3, v0;
	_ =	sdelay $0x1  }
0x103: {  	v4 =	vadd.s32 v1, v4;
	_ =	sdelay $0x1  }
0x104: {  	v3 =	vperm.xlane v3, v2;
	_ =	sdelay $0x1  }
0x105: {  	v3 =	vadd.s32 v1, v3  }
0x106: {  	[tilespmem:s12], [sflag:$0x1] =	stream.indirect_vreg.gather [hbm4b:s1+s3], $0x80, v4, vm0, $0xb8;
	[tilespmem:$0x18200] =	vst v63  }
0x107: {  	_ = 	snop  }
0x108: {  	[tilespmem:s13], [sflag:$0x1] =	stream.indirect_vreg.gather [hbm4b:s5+s3], $0x80, v4, vm0, $0xb8;
	[tilespmem:$0x18200] =	vst v63  }
0x109: {  	_ = 	snop  }
0x10a: {  	[tilespmem:s14], [sflag:$0x1] =	stream.indirect_vreg.gather [hbm4b:s1+s3], $0x80, v3, vm0, $0xb8;
	[tilespmem:$0x18200] =	vst v63  }
0x10b: {  	_ = 	snop  }
0x10c: {  	[tilespmem:s15], [sflag:$0x1] =	stream.indirect_vreg.gather [hbm4b:s5+s3], $0x80, v3, vm0, $0xb8;
	[tilespmem:$0x18200] =	vst v63  }
0x10d: {  	v3 =	vld [tilespmem:$0x1A0];
	_ =	sdelay $0x4  }
0x10e: {  	v62 =	vshll.u32 v3, $0x2  }
0x10f: {  	v3 =	vand.u32 $0x7, v3;
	v4 =	vand.u32 $0xFFFFFFE0, v62  }
0x110: {  	v3 =	vor.u32 v3, v4  }
0x111: {  	v4 =	vperm.xlane v3, v0;
	_ =	sdelay $0x1  }
0x112: {  	v4 =	vadd.s32 v1, v4;
	_ =	sdelay $0x1  }
0x113: {  	v3 =	vperm.xlane v3, v2;
	_ =	sdelay $0x1  }
0x114: {  	v3 =	vadd.s32 v1, v3  }
0x115: {  	[tilespmem:s16], [sflag:$0x1] =	stream.indirect_vreg.gather [hbm4b:s1+s3], $0x80, v4, vm0, $0xb8;
	[tilespmem:$0x18200] =	vst v63  }
0x116: {  	_ = 	snop  }
0x117: {  	[tilespmem:s17], [sflag:$0x1] =	stream.indirect_vreg.gather [hbm4b:s5+s3], $0x80, v4, vm0, $0xb8;
	[tilespmem:$0x18200] =	vst v63  }
0x118: {  	_ = 	snop  }
0x119: {  	[tilespmem:s18], [sflag:$0x1] =	stream.indirect_vreg.gather [hbm4b:s1+s3], $0x80, v3, vm0, $0xb8;
	[tilespmem:$0x18200] =	vst v63  }
0x11a: {  	_ = 	snop  }
0x11b: {  	[tilespmem:s19], [sflag:$0x1] =	stream.indirect_vreg.gather [hbm4b:s5+s3], $0x80, v3, vm0, $0xb8;
	[tilespmem:$0x18200] =	vst v63  }
0x11c: {  	v3 =	vld [tilespmem:$0x1B0];
	_ =	sdelay $0x4  }
0x11d: {  	v63 =	vshll.u32 v3, $0x2  }
0x11e: {  	v3 =	vand.u32 $0x7, v3;
	v4 =	vand.u32 $0xFFFFFFE0, v63  }
0x11f: {  	v3 =	vor.u32 v3, v4  }
0x120: {  	v4 =	vperm.xlane v3, v0;
	_ =	sdelay $0x1  }
0x121: {  	v4 =	vadd.s32 v1, v4;
	_ =	sdelay $0x1  }
0x122: {  	v3 =	vperm.xlane v3, v2;
	_ =	sdelay $0x1  }
0x123: {  	v3 =	vadd.s32 v1, v3  }
0x124: {  	[tilespmem:s20], [sflag:$0x1] =	stream.indirect_vreg.gather [hbm4b:s1+s3], $0x80, v4, vm0, $0xb8;
	[tilespmem:$0x18200] =	vst v63  }
0x125: {  	_ = 	snop  }
0x126: {  	[tilespmem:s21], [sflag:$0x1] =	stream.indirect_vreg.gather [hbm4b:s5+s3], $0x80, v4, vm0, $0xb8;
	[tilespmem:$0x18200] =	vst v63  }
0x127: {  	_ = 	snop  }
0x128: {  	[tilespmem:s22], [sflag:$0x1] =	stream.indirect_vreg.gather [hbm4b:s1+s3], $0x80, v3, vm0, $0xb8;
	[tilespmem:$0x18200] =	vst v63  }
0x129: {  	_ = 	snop  }
0x12a: {  	[tilespmem:s23], [sflag:$0x1] =	stream.indirect_vreg.gather [hbm4b:s5+s3], $0x80, v3, vm0, $0xb8;
	[tilespmem:$0x18200] =	vst v63  }
0x12b: {  	_ =	swait.ge [sflag:s30], $0x8000  }
0x12c: {  	[sflag:s30] =	ssyncset.done $0x0  }
0x12d: {  	s4 =	rddreg [dreg:$0x6];
	[sflag:s30] =	ssyncadd.s32 $0xFFFF8000  }
0x12e: {  	[hbm4b:s4+s3] =	stream.linear.scatter [tilespmem:s26], [sflag:$0x6], $0x8000, $0x38;
	[tilespmem:$0x18200] =	vst v63  }
0x12f: {  	_ =	swait.ge [sflag:s25], $0x8000  }
0x130: {  	[sflag:s25] =	ssyncset.done $0x0  }
0x131: {  	s4 =	rddreg [dreg:$0x7];
	[sflag:s25] =	ssyncadd.s32 $0xFFFF8000  }
0x132: {  	[hbm4b:s4+s3] =	stream.linear.scatter [tilespmem:s8], [sflag:$0x4], $0x8000, $0x38;
	[tilespmem:$0x18200] =	vst v63  }
0x133: {  	_ =	swait.ge [sflag:s31], $0x8000  }
0x134: {  	[sflag:s31] =	ssyncset.done $0x0  }
0x135: {  	[sflag:s31] =	ssyncadd.s32 $0xFFFF8000  }
0x136: {  	p0 =	sne.s32 s6, $0x1;
	_ =	swait.ge [sflag:s2], $0x8000  }
.Ltmp0:
0x137: {  	[sflag:s2] =	ssyncset.done $0x0;
	(pc) =	sbr.rel @p0 .LBB2_1-.Ltmp0, $4  }
0x138: {  	[sflag:s2] =	ssyncadd.s32 $0xFFFF8000  }
0x139: {  	_ =	swait.ge [sflag:s29], $0x8000  }
0x13a: {  	[sflag:s29] =	ssyncset.done $0x0  }
0x13b: {  	s6 =	sadd.s32 $0xFFFFFFFF, s6;
	[sflag:s29] =	ssyncadd.s32 $0xFFFF8000  }
0x13c: {  	_ =	sfence.sel $0x180000  }
0x13d: {  	[bflag:$0x0] =	sbarrier.arrive $0xFFFF  }
0x13e: {  	_ =	strace $0x90000047  }
0x13f: {  	s0 =	stileid.u32;
	[bflag:$0x2] =	sbarrier.arrive $0xFFFF  }
0x140: {  	p0 =	sne.s32 s0, $0x0;
	s0 =	rddreg [dreg:$0x3]  }
0x141: {  	s0 =	sadd.s32 @!p0 $0x100000, s0  }
0x142: {  	[sflag:s0] =	ssyncadd.tile.s32 @!p0 $0x1;
	_ =	shalt  }
.Lfunc_end2:
_tile_overlayer_lowered:
.L_overlay_start_2:
0x143: {  	(tag) =	ssettag $0x2  }
0x144: {  	s0 =	rddreg [dreg:$0x0];
	s2 =	stileid.u32  }
0x145: {  	s1 =	rddreg [dreg:$0x1];
	p0 =	sne.s32 s2, $0x0  }
0x146: {  	s3 =	rddreg [dreg:$0x2];
	[bflag:$0x3] =	sbarrier.arrive $0xFFFF;
	s2 =	simm.s32 @!p0 $0x1C07  }
0x147: {  	[timem:s3], [sflag:s2] =	dma.local @!p0 [hbm:s0], s1  }
0x148: {  	s0 =	simm.s32 @!p0 $0x7  }
0x149: {  	_ =	swait.ge @!p0 [sflag:s0], s1  }
0x14a: {  	s1 =	ssub.s32 @!p0 $0x0, s1;
	[sflag:s0] =	ssyncset.done @!p0 $0x0  }
0x14b: {  	[sflag:s0] =	ssyncadd.s32 @!p0 s1  }
0x14c: {  	[bflag:$0x3] =	sbarrier.arrive $0xFFFF  }
0x14d: {  	_ =	shalt  }

// kernel: kernel.8.cloned.1.call-start
scs
__scs_entry_jumppad:
0x0: {  	(pc) =	sbr.rel $0x88, $3  }
0x1: {  	(tag) =	ssettag $0x0;
	lr =	simm.s32 $0x1  }
0x2: {  	[smem:$0x3F99] =	sst lr;
	_ =	strace $0xD0000000  }
0x3: {  	_ = 	snop  }
0x4: {  	_ = 	snop  }
0x5: {  	_ = 	snop  }
0x6: {  	_ = 	snop  }
0x7: {  	_ = 	snop  }
__scs_overlays_trampoline_lowered:
0x8: {  	[smem:$0x3FA8] =	sst s0  }
0x9: {  	[smem:$0x3FA9] =	sst s1  }
0xa: {  	[smem:$0x3FAA] =	sst s2  }
0xb: {  	[smem:$0x3FAB] =	sst s3  }
0xc: {  	[smem:$0x3FAC] =	sst s4  }
0xd: {  	[smem:$0x3FAD] =	sst s5  }
0xe: {  	[smem:$0x3FAE] =	sst s6  }
0xf: {  	[smem:$0x3FAF] =	sst s7  }
0x10: {  	[smem:$0x3FB0] =	sst s8  }
0x11: {  	[smem:$0x3FB1] =	sst s9;
	s0 =	simm.s32 @!p0 $0x0  }
0x12: {  	s1 =	sld [smem:$0x3F97];
	s0 =	simm.s32 @p0 $0x1  }
0x13: {  	[smem:$0x3FB2] =	sst s0;
	s0 =	simm.s32 @!p1 $0x0  }
0x14: {  	s2 =	sld [smem:$0x3F96];
	s0 =	simm.s32 @p1 $0x1  }
0x15: {  	[smem:$0x3FB3] =	sst s0;
	s0 =	simm.s32 @!p2 $0x0  }
0x16: {  	s3 =	sld [smem:$0x3FDB];
	s0 =	simm.s32 @p2 $0x1  }
0x17: {  	s4 =	simm.s32 $0x1BF5;
	[smem:$0x3FB5] =	sst s0  }
0x18: {  	s0 =	sld [smem:$0x3F98];
	_ =	swait.ge [sflag:s4], $0x0  }
0x19: {  	s7 =	sld [smem:$0x3F99]  }
0x1a: {  	s8 =	sadd.s32 $0xFFFFE003, lr  }
0x1b: {  	s9 =	sadd.s32 $0xFFFFFEF7, lr;
	s5 =	simm.s32 $0xFFFFFFFF;
	p2 =	slt.u32 s8, $0xFFFFF086  }
0x1c: {  	p1 =	slt.u32 s9, $0xF7A;
	s5 =	simm.s32 @!p2 $0x0  }
0x1d: {  	s5 =	simm.s32 @p1 $0x1;
	p0 =	seq.s32 s7, s2  }
0x1e: {  	s7 =	smul.u32 @!p0 $0xF7A, s2;
	p2 =	seq.s32 @!p0 s5, $0x0  }
0x1f: {  	s9 =	smul.u32 $0xF7A, s1;
	s8 =	simm.s32 @!p0 $0x1BF5;
	p2 =	por !p2, p0  }
0x20: {  	[sflag:s8] =	ssyncset.s32 @!p0 $0xFFFFF086;
	s6 =	sadd.s32 @!p0 s3, s7;
	s7 =	simm.s32 @!p0 $0x108  }
0x21: {  	s3 =	sadd.s32 s3, s9;
	s6 =	sadd.s32 @!p0 $0x88, s6;
	s7 =	simm.s32 @p2 $0x1082  }
0x22: {  	[simem:s7], [sflag:s8] =	dma.local @!p0 [hbm:s6], $0xF7A  }
0x23: {  	s9 =	sor.u32 $0xD0000000, s2;
	s6 =	simm.s32 $0x108;
	_ =	swait.ge @!p0 [sflag:s8], $0x0  }
0x24: {  	s3 =	sadd.s32 $0x88, s3;
	s6 =	simm.s32 @!p1 $0x1082;
	[sflag:s4] =	ssyncset.s32 $0xFFFFF086  }
0x25: {  	[simem:s6], [sflag:s4] =	dma.local [hbm:s3], $0xF7A  }
0x26: {  	[smem:$0x3F99] =	sst s1;
	(tag) =	ssettag s2;
	_ =	strace s9  }
0x27: {  	s1 =	sld [smem:$0x3FA9]  }
0x28: {  	s2 =	sld [smem:$0x3FAA]  }
0x29: {  	s4 =	sld [smem:$0x3FAC]  }
0x2a: {  	p0 =	seq.s32 s5, $0x0;
	s5 =	sld [smem:$0x3FAD]  }
0x2b: {  	s6 =	sld [smem:$0x3FAE]  }
0x2c: {  	s7 =	sld [smem:$0x3FAF]  }
0x2d: {  	s3 =	simm.s32 $0x108;
	s8 =	sld [smem:$0x3FB0]  }
0x2e: {  	s3 =	simm.s32 @!p0 $0x1082;
	s9 =	sld [smem:$0x3FB1]  }
0x2f: {  	lr =	sadd.s32 s0, s3;
	s0 =	sld [smem:$0x3FA8]  }
0x30: {  	s3 =	sld [smem:$0x3FAB]  }
0x31: {  	[smem:$0x3FB4] =	sst s10  }
0x32: {  	s10 =	sld [smem:$0x3FB2];
	_ =	sdelay $0x3  }
0x33: {  	p0 =	seq.s32 s10, $0x1;
	s10 =	sld [smem:$0x3FB4];
	_ =	sdelay $0x3  }
0x34: {  	[smem:$0x3FB4] =	sst s10  }
0x35: {  	s10 =	sld [smem:$0x3FB3];
	_ =	sdelay $0x3  }
0x36: {  	p1 =	seq.s32 s10, $0x1;
	s10 =	sld [smem:$0x3FB4];
	_ =	sdelay $0x3  }
0x37: {  	[smem:$0x3FB4] =	sst s10  }
0x38: {  	s10 =	sld [smem:$0x3FB5]  }
0x39: {  	_ = 	snop;
	(pc) =	sbr.ind lr, $3  }
0x3a: {  	_ = 	snop  }
0x3b: {  	_ = 	snop  }
0x3c: {  	p2 =	seq.s32 s10, $0x1;
	s10 =	sld [smem:$0x3FB4]  }
0x3d: {  	_ =	shalt  }
0x3e: {  	_ =	shalt  }
0x3f: {  	_ =	shalt  }
0x40: {  	_ =	shalt  }
0x41: {  	_ =	shalt  }
0x42: {  	_ =	shalt  }
0x43: {  	_ =	shalt  }
0x44: {  	_ =	shalt  }
0x45: {  	_ =	shalt  }
0x46: {  	_ =	shalt  }
0x47: {  	_ =	shalt  }
0x48: {  	_ =	shalt  }
0x49: {  	_ =	shalt  }
0x4a: {  	_ =	shalt  }
0x4b: {  	_ =	shalt  }
0x4c: {  	_ =	shalt  }
0x4d: {  	_ =	shalt  }
0x4e: {  	_ =	shalt  }
0x4f: {  	_ =	shalt  }
0x50: {  	_ =	shalt  }
0x51: {  	_ =	shalt  }
0x52: {  	_ =	shalt  }
0x53: {  	_ =	shalt  }
0x54: {  	_ =	shalt  }
0x55: {  	_ =	shalt  }
0x56: {  	_ =	shalt  }
0x57: {  	_ =	shalt  }
0x58: {  	_ =	shalt  }
0x59: {  	_ =	shalt  }
0x5a: {  	_ =	shalt  }
0x5b: {  	_ =	shalt  }
0x5c: {  	_ =	shalt  }
0x5d: {  	_ =	shalt  }
0x5e: {  	_ =	shalt  }
0x5f: {  	_ =	shalt  }
0x60: {  	_ =	shalt  }
0x61: {  	_ =	shalt  }
0x62: {  	_ =	shalt  }
0x63: {  	_ =	shalt  }
0x64: {  	_ =	shalt  }
0x65: {  	_ =	shalt  }
0x66: {  	_ =	shalt  }
0x67: {  	_ =	shalt  }
0x68: {  	_ =	shalt  }
0x69: {  	_ =	shalt  }
0x6a: {  	_ =	shalt  }
0x6b: {  	_ =	shalt  }
0x6c: {  	_ =	shalt  }
0x6d: {  	_ =	shalt  }
0x6e: {  	_ =	shalt  }
0x6f: {  	_ =	shalt  }
0x70: {  	_ =	shalt  }
0x71: {  	_ =	shalt  }
0x72: {  	_ =	shalt  }
0x73: {  	_ =	shalt  }
0x74: {  	_ =	shalt  }
0x75: {  	_ =	shalt  }
0x76: {  	_ =	shalt  }
0x77: {  	_ =	shalt  }
0x78: {  	_ =	shalt  }
0x79: {  	_ =	shalt  }
0x7a: {  	_ =	shalt  }
0x7b: {  	_ =	shalt  }
0x7c: {  	_ =	shalt  }
0x7d: {  	_ =	shalt  }
0x7e: {  	_ =	shalt  }
0x7f: {  	_ =	shalt  }
0x80: {  	_ =	shalt  }
0x81: {  	_ =	shalt  }
0x82: {  	_ =	shalt  }
0x83: {  	_ =	shalt  }
0x84: {  	_ =	shalt  }
0x85: {  	_ =	shalt  }
0x86: {  	_ =	shalt  }
0x87: {  	_ =	shalt  }
.Lfunc_end0:
.L_simem_size_0:
called_computation.1_lowered:
.L_overlay_start_0:
0x88: {  	s2 =	sld [smem:$0x3FD9]  }
0x89: {  	s3 =	sld [smem:$0x3FFE];
	_ =	sdelay $0x1  }
0x8a: {  	s1 =	srdreg.scid  }
0x8b: {  	s0 =	sand.u32 $0x1, s1  }
0x8c: {  	s17 =	sshll.u32 s0, $0xA;
	s2 =	sadd.s32 s3, s2  }
0x8d: {  	s2 =	sadd.s32 s2, s17  }
0x8e: {  	[smem:$0x3FC0] =	sst s2  }
0x8f: {  	_ = 	snop  }
0x90: {  	s2 =	sld [smem:$0x3FD0];
	(tm) =	ssettm $0x1  }
0x91: {  	s18 =	sld [smem:$0x3FFB];
	_ =	sdelay $0x3  }
0x92: {  	_ =	strace s18  }
0x93: {  	s3 =	sld [smem:$0x3FFC];
	_ =	sdelay $0x3  }
0x94: {  	_ =	strace s3  }
0x95: {  	s3 =	sld [smem:$0x3FFD];
	_ =	sdelay $0x3  }
0x96: {  	_ =	strace s3  }
0x97: {  	_ =	strace $0x8FFFFFFF  }
0x98: {  	s19 =	sld [smem:$0x3FDB];
	_ =	sdelay $0x1  }
0x99: {  	s4 =	simm.s32 $_scs_section_size  }
0x9a: {  	s5 =	simm.s32 $_size__tile_overlayer_lowered;
	s6 =	simm.s32 $_tile_overlayer_lowered  }
0x9b: {  	s22 =	simm.s32 $0x1BFF;
	s21 =	sshll.u32 s6, $0x1;
	s3 =	sadd.s32 s4, s19  }
0x9c: {  	s7 =	simm.s32 $0x0;
	s20 =	sshll.u32 s5, $0x1;
	s5 =	sadd.s32 s21, s3  }
0x9d: {  	[timem:s7], [sflag:s22] =	dma.local [hbm:s5], s20  }
0x9e: {  	_ =	swait.ge [sflag:s22], s20  }
0x9f: {  	s4 =	ssub.s32 $0x0, s20;
	[sflag:s22] =	ssyncset.done $0x0  }
0xa0: {  	[sflag:s22] =	ssyncadd.s32 s4;
	_ =	sdelay $0x1  }
0xa1: {  	s23 =	simm.s32 $0x1B8B  }
0xa2: {  	_ =	swait.ge [sflag:s23], $0x1  }
0xa3: {  	[sflag:s23] =	ssyncset.done $0x0  }
0xa4: {  	s25 =	simm.s32 $0x1B8E;
	s24 =	sld [smem:$0x3FFE];
	[sflag:s23] =	ssyncadd.s32 $0xFFFFFFFF  }
0xa5: {  	s26 =	simm.s32 $execute0_lowered;
	[smem:$0x3FD2] =	sst s25  }
0xa6: {  	s5 =	sshll.u32 s26, $0x1;
	_ =	strace $0x80000049;
	[dreg:$0x1] =	wrdreg $0xFFFFFFFF  }
0xa7: {  	s28 =	simm.s32 $_size_execute0_lowered;
	s3 =	sadd.s32 s3, s5;
	[dreg:$0x0] =	wrdreg $0x0  }
0xa8: {  	s5 =	sshll.u32 s28, $0x1;
	[dreg:$0x2] =	wrdreg s3  }
0xa9: {  	[dreg:$0x3] =	wrdreg s5  }
0xaa: {  	[dreg:$0x4] =	wrdreg $0xC0  }
0xab: {  	_ =	task [dreg:s7], $0x5FFFF  }
0xac: {  	[dreg:$0x1] =	wrdreg $0xFFFFFFFF  }
0xad: {  	[dreg:$0x0] =	wrdreg $0x60  }
0xae: {  	[dreg:$0x2] =	wrdreg s24  }
0xaf: {  	[dreg:$0x3] =	wrdreg s2  }
0xb0: {  	[dreg:$0x4] =	wrdreg $0x9  }
0xb1: {  	_ =	task.clear_ibuf [dreg:s7], $0x5FFFF;
	_ =	strace $0x90000049  }
0xb2: {  	s29 =	simm.s32 $0x9;
	_ =	strace $0x8000004B  }
0xb3: {  	_ =	swait.ge [sflag:s29], $0x1  }
0xb4: {  	[sflag:s29] =	ssyncadd.s32 $0xFFFFFFFF  }
0xb5: {  	_ =	strace $0x9000004B  }
0xb6: {  	_ =	sfence  }
0xb7: {  	s30 =	sld [smem:$0x0];
	_ =	sdelay $0x2  }
0xb8: {  	s31 =	sshll.u32 s1, $0xD;
	s1 =	sshrl.u32 s1, $0x2  }
0xb9: {  	s3 =	sand.u32 $0x4000, s31;
	s1 =	sadd.s32 s1, s30  }
0xba: {  	s0 =	sor.u32 s3, s0;
	s1 =	sshll.u32 s1, $0x11  }
0xbb: {  	s0 =	sor.u32 s1, s0  }
0xbc: {  	s0 =	sadd.s32 $0x8F2B, s0  }
0xbd: {  	[sflag:s0] =	ssyncadd.remote.s32 $0x1  }
0xbe: {  	_ =	sfence.sel $0xFFFF  }
0xbf: {  	[dreg:$0x0] =	wrdreg $0xFFFFFFFF;
	(pc) =	sbr.abs _section_cstart, $3  }
0xc0: {  	[dreg:$0x1] =	wrdreg $0xFFFFFFFF  }
0xc1: {  	_ =	task.clear_ibuf [dreg:s7], $0x2FFFF;
	_ =	strace $0x9FFFFFFF  }
0xc2: {  	(tm) =	ssettm $0x7FFFFFFF  }
0xc3: {  	_ =	shalt  }
tec
execute0_lowered:
.L_overlay_start_1:
0x0: {  	(tag) =	ssettag $0x1  }
0x1: {  	s1 =	srdreg.scid;
	s0 =	stileid.u32  }
0x2: {  	s4 =	rddreg [dreg:$0x0];
	s1 =	sand.u32 $0x1, s1;
	s3 =	sshll.u32 s0, $0x1  }
0x3: {  	s2 =	rddreg [dreg:$0x1];
	s5 =	sor.u32 s1, s3;
	s3 =	simm.s32 $0x0  }
0x4: {  	s21 =	simm.s32 $0x8A00;
	[smem:$0x7FF] =	sst s3  }
0x5: {  	s22 =	simm.s32 $0x9200;
	_ =	strace $0x8000004A;
	[dreg:$0x8] =	wrdreg s21  }
0x6: {  	s23 =	simm.s32 $0x9A00;
	[dreg:$0x9] =	wrdreg s22  }
0x7: {  	s24 =	simm.s32 $0xA200;
	[dreg:$0xa] =	wrdreg s23  }
0x8: {  	s25 =	simm.s32 $0xAA00;
	[dreg:$0xb] =	wrdreg s24  }
0x9: {  	s26 =	simm.s32 $0xB200;
	s30 =	simm.s32 $0xBA00;
	[dreg:$0xc] =	wrdreg s25  }
0xa: {  	s7 =	simm.s32 $0xCA00;
	s8 =	simm.s32 $0xD200;
	[dreg:$0xd] =	wrdreg s26  }
0xb: {  	s9 =	simm.s32 $0xDA00;
	s10 =	simm.s32 $0xE200;
	[dreg:$0xe] =	wrdreg s30  }
0xc: {  	s11 =	simm.s32 $0xEA00;
	s12 =	simm.s32 $0xF200;
	[dreg:$0x10] =	wrdreg s7  }
0xd: {  	s13 =	simm.s32 $0xFA00;
	s14 =	simm.s32 $0x10A00;
	[dreg:$0x11] =	wrdreg s8  }
0xe: {  	s15 =	simm.s32 $0x11200;
	s16 =	simm.s32 $0x11A00;
	[dreg:$0x12] =	wrdreg s9  }
0xf: {  	s28 =	simm.s32 $0x4;
	s29 =	simm.s32 $0x3;
	[dreg:$0x13] =	wrdreg s10  }
0x10: {  	s31 =	simm.s32 $0x5;
	s1 =	ssub.s32 $0x2, s1;
	[dreg:$0x14] =	wrdreg s11  }
0x11: {  	s6 =	sshll.u32 s5, $0x6;
	s5 =	sshll.u32 s5, $0xE;
	[dreg:$0x15] =	wrdreg s12  }
0x12: {  	s0 =	sshrl.u32 s1, $0x1;
	s6 =	sadd.s32 s6, s4;
	[dreg:$0x16] =	wrdreg s13  }
0x13: {  	s4 =	sadd.s32 s5, s4;
	s1 =	ssub.s32 s1, s0;
	[dreg:$0x17] =	wrdreg s14  }
0x14: {  	s7 =	simm.s32 $0x200;
	s8 =	simm.s32 $0x8200;
	[dreg:$0x18] =	wrdreg s15  }
0x15: {  	s9 =	simm.s32 $0x1;
	[dreg:$0x19] =	wrdreg s16;
	s21 =	simm.s32 $0x14200  }
0x16: {  	s10 =	simm.s32 $0xA00;
	s22 =	simm.s32 $0x14A00;
	[dreg:$0x1e] =	wrdreg s21  }
0x17: {  	s11 =	simm.s32 $0x1200;
	s23 =	simm.s32 $0x15200;
	[dreg:$0x1f] =	wrdreg s22  }
0x18: {  	s12 =	simm.s32 $0x1A00;
	s24 =	simm.s32 $0x15A00;
	[smem:$0x7F9] =	sst s23  }
0x19: {  	s13 =	simm.s32 $0x2200;
	s25 =	simm.s32 $0x16200;
	[smem:$0x7FA] =	sst s24  }
0x1a: {  	s14 =	simm.s32 $0x2A00;
	s26 =	simm.s32 $0x16A00;
	[smem:$0x7FB] =	sst s25  }
0x1b: {  	s15 =	simm.s32 $0x3200;
	s30 =	simm.s32 $0x17200;
	[smem:$0x7FC] =	sst s26  }
0x1c: {  	s16 =	simm.s32 $0x3A00;
	s17 =	sadd.s32 $0x800, s6;
	[smem:$0x7FD] =	sst s30  }
0x1d: {  	s18 =	sadd.s32 $0x1000, s4;
	s19 =	sadd.s32 $0x2000, s4;
	[dreg:$0x3] =	wrdreg s17  }
0x1e: {  	s20 =	sadd.s32 $0x3000, s4;
	s4 =	sadd.s32 $0x4000, s4;
	[dreg:$0x4] =	wrdreg s18  }
0x1f: {  	s6 =	simm.s32 $0xC200;
	s5 =	smax.u32 s1, $0x1;
	[dreg:$0x5] =	wrdreg s19  }
0x20: {  	s21 =	simm.s32 $0x6200;
	s22 =	simm.s32 $0x6A00;
	[dreg:$0x6] =	wrdreg s20  }
0x21: {  	s23 =	simm.s32 $0x7200;
	s24 =	simm.s32 $0x7A00;
	[dreg:$0x7] =	wrdreg s4  }
0x22: {  	s25 =	simm.s32 $0x10200;
	[dreg:$0xf] =	wrdreg s6;
	s17 =	simm.s32 $0x12200  }
0x23: {  	s26 =	simm.s32 $0x2;
	s18 =	simm.s32 $0x12A00;
	[dreg:$0x1a] =	wrdreg s17  }
0x24: {  	s1 =	simm.s32 $0x6;
	s19 =	simm.s32 $0x13200;
	[dreg:$0x1b] =	wrdreg s18  }
0x25: {  	v2 =	vlaneseq.u32;
	s4 =	sadd.s32 $0x100, s2;
	s20 =	simm.s32 $0x13A00;
	[dreg:$0x1c] =	wrdreg s19  }
0x26: {  	vm0 =	vmmov $0xffff;
	v1 =	vshrl.u32 v2, $0x3;
	s6 =	simm.s32 $0x7;
	s17 =	simm.s32 $0x4200;
	[dreg:$0x1d] =	wrdreg s20  }
0x27: {  	v0 =	vand.u32 $0x7, v2;
	v2 =	vor.u32 $0x8, v2;
	v1 =	vmul.u32 $0x8, v1;
	s18 =	simm.s32 $0x4A00;
	s19 =	simm.s32 $0x5200;
	s20 =	simm.s32 $0x5A00  }
.LBB2_1:
0x28: {  	s0 =	rddreg [dreg:$0x3]  }
0x29: {  	[tilespmem:s3], [sflag:$0x7] =	stream.linear.gather [hbm4b:s0+s3], $0x200, $0x38;
	[tilespmem:$0x18200] =	vst v63  }
0x2a: {  	_ =	swait.ge [sflag:s6], $0x200  }
0x2b: {  	[sflag:s6] =	ssyncset.done $0x0  }
0x2c: {  	s0 =	rddreg [dreg:$0x4];
	[sflag:s6] =	ssyncadd.s32 $0xFFFFFE00  }
0x2d: {  	[tilespmem:s7], [sflag:$0x1] =	stream.linear.gather [hbm4b:s0+s3], $0x8000, $0x38;
	[tilespmem:$0x18200] =	vst v63  }
0x2e: {  	s30 =	rddreg [dreg:$0x5]  }
0x2f: {  	[tilespmem:s8], [sflag:$0x2] =	stream.linear.gather [hbm4b:s30+s3], $0x8000, $0x38;
	[tilespmem:$0x18200] =	vst v63  }
0x30: {  	_ =	swait.ge [sflag:s9], $0x8000  }
0x31: {  	[sflag:s9] =	ssyncset.done $0x0  }
0x32: {  	[sflag:s9] =	ssyncadd.s32 $0xFFFF8000  }
0x33: {  	v3 =	vld [tilespmem:$0x0];
	_ =	sdelay $0x4  }
0x34: {  	v4 =	vshll.u32 v3, $0x2  }
0x35: {  	v3 =	vand.u32 $0x7, v3;
	v4 =	vand.u32 $0xFFFFFFE0, v4  }
0x36: {  	v3 =	vor.u32 v3, v4  }
0x37: {  	v4 =	vperm.xlane v3, v0;
	_ =	sdelay $0x1  }
0x38: {  	v4 =	vadd.s32 v1, v4;
	_ =	sdelay $0x1  }
0x39: {  	v3 =	vperm.xlane v3, v2;
	_ =	sdelay $0x1  }
0x3a: {  	v3 =	vadd.s32 v1, v3  }
0x3b: {  	[hbm4b:s2+s3] =	stream.indirect_vreg.scatter [tilespmem:s7], [sflag:$0x4], $0x80, v4, vm0, $0xb8;
	[tilespmem:$0x18200] =	vst v63  }
0x3c: {  	_ = 	snop  }
0x3d: {  	[hbm4b:s4+s3] =	stream.indirect_vreg.scatter [tilespmem:s10], [sflag:$0x4], $0x80, v4, vm0, $0xb8;
	[tilespmem:$0x18200] =	vst v63  }
0x3e: {  	_ = 	snop  }
0x3f: {  	[hbm4b:s2+s3] =	stream.indirect_vreg.scatter [tilespmem:s11], [sflag:$0x4], $0x80, v3, vm0, $0xb8;
	[tilespmem:$0x18200] =	vst v63  }
0x40: {  	_ = 	snop  }
0x41: {  	[hbm4b:s4+s3] =	stream.indirect_vreg.scatter [tilespmem:s12], [sflag:$0x4], $0x80, v3, vm0, $0xb8;
	[tilespmem:$0x18200] =	vst v63  }
0x42: {  	v3 =	vld [tilespmem:$0x10];
	_ =	sdelay $0x4  }
0x43: {  	v49 =	vshll.u32 v3, $0x2  }
0x44: {  	v3 =	vand.u32 $0x7, v3;
	v4 =	vand.u32 $0xFFFFFFE0, v49  }
0x45: {  	v3 =	vor.u32 v3, v4  }
0x46: {  	v4 =	vperm.xlane v3, v0;
	_ =	sdelay $0x1  }
0x47: {  	v4 =	vadd.s32 v1, v4;
	_ =	sdelay $0x1  }
0x48: {  	v3 =	vperm.xlane v3, v2;
	_ =	sdelay $0x1  }
0x49: {  	v3 =	vadd.s32 v1, v3  }
0x4a: {  	[hbm4b:s2+s3] =	stream.indirect_vreg.scatter [tilespmem:s13], [sflag:$0x4], $0x80, v4, vm0, $0xb8;
	[tilespmem:$0x18200] =	vst v63  }
0x4b: {  	_ = 	snop  }
0x4c: {  	[hbm4b:s4+s3] =	stream.indirect_vreg.scatter [tilespmem:s14], [sflag:$0x4], $0x80, v4, vm0, $0xb8;
	[tilespmem:$0x18200] =	vst v63  }
0x4d: {  	_ = 	snop  }
0x4e: {  	[hbm4b:s2+s3] =	stream.indirect_vreg.scatter [tilespmem:s15], [sflag:$0x4], $0x80, v3, vm0, $0xb8;
	[tilespmem:$0x18200] =	vst v63  }
0x4f: {  	_ = 	snop  }
0x50: {  	[hbm4b:s4+s3] =	stream.indirect_vreg.scatter [tilespmem:s16], [sflag:$0x4], $0x80, v3, vm0, $0xb8;
	[tilespmem:$0x18200] =	vst v63  }
0x51: {  	v3 =	vld [tilespmem:$0x20];
	_ =	sdelay $0x4  }
0x52: {  	v50 =	vshll.u32 v3, $0x2  }
0x53: {  	v3 =	vand.u32 $0x7, v3;
	v4 =	vand.u32 $0xFFFFFFE0, v50  }
0x54: {  	v3 =	vor.u32 v3, v4  }
0x55: {  	v4 =	vperm.xlane v3, v0;
	_ =	sdelay $0x1  }
0x56: {  	v4 =	vadd.s32 v1, v4;
	_ =	sdelay $0x1  }
0x57: {  	v3 =	vperm.xlane v3, v2;
	_ =	sdelay $0x1  }
0x58: {  	v3 =	vadd.s32 v1, v3  }
0x59: {  	[hbm4b:s2+s3] =	stream.indirect_vreg.scatter [tilespmem:s17], [sflag:$0x4], $0x80, v4, vm0, $0xb8;
	[tilespmem:$0x18200] =	vst v63  }
0x5a: {  	_ = 	snop  }
0x5b: {  	[hbm4b:s4+s3] =	stream.indirect_vreg.scatter [tilespmem:s18], [sflag:$0x4], $0x80, v4, vm0, $0xb8;
	[tilespmem:$0x18200] =	vst v63  }
0x5c: {  	_ = 	snop  }
0x5d: {  	[hbm4b:s2+s3] =	stream.indirect_vreg.scatter [tilespmem:s19], [sflag:$0x4], $0x80, v3, vm0, $0xb8;
	[tilespmem:$0x18200] =	vst v63  }
0x5e: {  	_ = 	snop  }
0x5f: {  	[hbm4b:s4+s3] =	stream.indirect_vreg.scatter [tilespmem:s20], [sflag:$0x4], $0x80, v3, vm0, $0xb8;
	[tilespmem:$0x18200] =	vst v63  }
0x60: {  	v3 =	vld [tilespmem:$0x30];
	_ =	sdelay $0x4  }
0x61: {  	v51 =	vshll.u32 v3, $0x2  }
0x62: {  	v3 =	vand.u32 $0x7, v3;
	v4 =	vand.u32 $0xFFFFFFE0, v51  }
0x63: {  	v3 =	vor.u32 v3, v4  }
0x64: {  	v4 =	vperm.xlane v3, v0;
	_ =	sdelay $0x1  }
0x65: {  	v4 =	vadd.s32 v1, v4;
	_ =	sdelay $0x1  }
0x66: {  	v3 =	vperm.xlane v3, v2;
	_ =	sdelay $0x1  }
0x67: {  	v3 =	vadd.s32 v1, v3  }
0x68: {  	[hbm4b:s2+s3] =	stream.indirect_vreg.scatter [tilespmem:s21], [sflag:$0x4], $0x80, v4, vm0, $0xb8;
	[tilespmem:$0x18200] =	vst v63  }
0x69: {  	_ = 	snop  }
0x6a: {  	[hbm4b:s4+s3] =	stream.indirect_vreg.scatter [tilespmem:s22], [sflag:$0x4], $0x80, v4, vm0, $0xb8;
	[tilespmem:$0x18200] =	vst v63  }
0x6b: {  	_ = 	snop  }
0x6c: {  	[hbm4b:s2+s3] =	stream.indirect_vreg.scatter [tilespmem:s23], [sflag:$0x4], $0x80, v3, vm0, $0xb8;
	[tilespmem:$0x18200] =	vst v63  }
0x6d: {  	_ = 	snop  }
0x6e: {  	[hbm4b:s4+s3] =	stream.indirect_vreg.scatter [tilespmem:s24], [sflag:$0x4], $0x80, v3, vm0, $0xb8;
	[tilespmem:$0x18200] =	vst v63  }
0x6f: {  	s30 =	rddreg [dreg:$0x6]  }
0x70: {  	[tilespmem:s25], [sflag:$0x3] =	stream.linear.gather [hbm4b:s30+s3], $0x8000, $0x38;
	[tilespmem:$0x18200] =	vst v63  }
0x71: {  	_ =	swait.ge [sflag:s26], $0x8000  }
0x72: {  	[sflag:s26] =	ssyncset.done $0x0  }
0x73: {  	[sflag:s26] =	ssyncadd.s32 $0xFFFF8000  }
0x74: {  	v3 =	vld [tilespmem:$0x80];
	_ =	sdelay $0x4  }
0x75: {  	v52 =	vshll.u32 v3, $0x2  }
0x76: {  	v3 =	vand.u32 $0x7, v3;
	v4 =	vand.u32 $0xFFFFFFE0, v52  }
0x77: {  	v3 =	vor.u32 v3, v4  }
0x78: {  	v4 =	vperm.xlane v3, v0;
	_ =	sdelay $0x1  }
0x79: {  	v4 =	vadd.s32 v1, v4;
	_ =	sdelay $0x1  }
0x7a: {  	v3 =	vperm.xlane v3, v2;
	_ =	sdelay $0x1  }
0x7b: {  	v3 =	vadd.s32 v1, v3  }
0x7c: {  	[hbm4b:s2+s3] =	stream.indirect_vreg.scatter [tilespmem:s8], [sflag:$0x5], $0x80, v4, vm0, $0xb8;
	[tilespmem:$0x18200] =	vst v63  }
0x7d: {  	s0 =	rddreg [dreg:$0x8]  }
0x7e: {  	[hbm4b:s4+s3] =	stream.indirect_vreg.scatter [tilespmem:s0], [sflag:$0x5], $0x80, v4, vm0, $0xb8;
	[tilespmem:$0x18200] =	vst v63  }
0x7f: {  	s30 =	rddreg [dreg:$0x9]  }
0x80: {  	[hbm4b:s2+s3] =	stream.indirect_vreg.scatter [tilespmem:s30], [sflag:$0x5], $0x80, v3, vm0, $0xb8;
	[tilespmem:$0x18200] =	vst v63  }
0x81: {  	s0 =	rddreg [dreg:$0xa]  }
0x82: {  	[hbm4b:s4+s3] =	stream.indirect_vreg.scatter [tilespmem:s0], [sflag:$0x5], $0x80, v3, vm0, $0xb8;
	[tilespmem:$0x18200] =	vst v63  }
0x83: {  	v3 =	vld [tilespmem:$0x90];
	_ =	sdelay $0x4  }
0x84: {  	v53 =	vshll.u32 v3, $0x2  }
0x85: {  	v3 =	vand.u32 $0x7, v3;
	v4 =	vand.u32 $0xFFFFFFE0, v53  }
0x86: {  	v3 =	vor.u32 v3, v4  }
0x87: {  	v4 =	vperm.xlane v3, v0;
	_ =	sdelay $0x1  }
0x88: {  	v4 =	vadd.s32 v1, v4;
	_ =	sdelay $0x1  }
0x89: {  	v3 =	vperm.xlane v3, v2;
	_ =	sdelay $0x1  }
0x8a: {  	s0 =	rddreg [dreg:$0xb];
	v3 =	vadd.s32 v1, v3  }
0x8b: {  	[hbm4b:s2+s3] =	stream.indirect_vreg.scatter [tilespmem:s0], [sflag:$0x5], $0x80, v4, vm0, $0xb8;
	[tilespmem:$0x18200] =	vst v63  }
0x8c: {  	s30 =	rddreg [dreg:$0xc]  }
0x8d: {  	[hbm4b:s4+s3] =	stream.indirect_vreg.scatter [tilespmem:s30], [sflag:$0x5], $0x80, v4, vm0, $0xb8;
	[tilespmem:$0x18200] =	vst v63  }
0x8e: {  	s0 =	rddreg [dreg:$0xd]  }
0x8f: {  	[hbm4b:s2+s3] =	stream.indirect_vreg.scatter [tilespmem:s0], [sflag:$0x5], $0x80, v3, vm0, $0xb8;
	[tilespmem:$0x18200] =	vst v63  }
0x90: {  	s30 =	rddreg [dreg:$0xe]  }
0x91: {  	[hbm4b:s4+s3] =	stream.indirect_vreg.scatter [tilespmem:s30], [sflag:$0x5], $0x80, v3, vm0, $0xb8;
	[tilespmem:$0x18200] =	vst v63  }
0x92: {  	v3 =	vld [tilespmem:$0xA0];
	_ =	sdelay $0x4  }
0x93: {  	v54 =	vshll.u32 v3, $0x2  }
0x94: {  	v3 =	vand.u32 $0x7, v3;
	v4 =	vand.u32 $0xFFFFFFE0, v54  }
0x95: {  	v3 =	vor.u32 v3, v4  }
0x96: {  	v4 =	vperm.xlane v3, v0;
	_ =	sdelay $0x1  }
0x97: {  	v4 =	vadd.s32 v1, v4;
	_ =	sdelay $0x1  }
0x98: {  	v3 =	vperm.xlane v3, v2;
	_ =	sdelay $0x1  }
0x99: {  	s0 =	rddreg [dreg:$0xf];
	v3 =	vadd.s32 v1, v3  }
0x9a: {  	[hbm4b:s2+s3] =	stream.indirect_vreg.scatter [tilespmem:s0], [sflag:$0x5], $0x80, v4, vm0, $0xb8;
	[tilespmem:$0x18200] =	vst v63  }
0x9b: {  	s30 =	rddreg [dreg:$0x10]  }
0x9c: {  	[hbm4b:s4+s3] =	stream.indirect_vreg.scatter [tilespmem:s30], [sflag:$0x5], $0x80, v4, vm0, $0xb8;
	[tilespmem:$0x18200] =	vst v63  }
0x9d: {  	s0 =	rddreg [dreg:$0x11]  }
0x9e: {  	[hbm4b:s2+s3] =	stream.indirect_vreg.scatter [tilespmem:s0], [sflag:$0x5], $0x80, v3, vm0, $0xb8;
	[tilespmem:$0x18200] =	vst v63  }
0x9f: {  	s30 =	rddreg [dreg:$0x12]  }
0xa0: {  	[hbm4b:s4+s3] =	stream.indirect_vreg.scatter [tilespmem:s30], [sflag:$0x5], $0x80, v3, vm0, $0xb8;
	[tilespmem:$0x18200] =	vst v63  }
0xa1: {  	v3 =	vld [tilespmem:$0xB0];
	_ =	sdelay $0x4  }
0xa2: {  	v55 =	vshll.u32 v3, $0x2  }
0xa3: {  	v3 =	vand.u32 $0x7, v3;
	v4 =	vand.u32 $0xFFFFFFE0, v55  }
0xa4: {  	v3 =	vor.u32 v3, v4  }
0xa5: {  	v4 =	vperm.xlane v3, v0;
	_ =	sdelay $0x1  }
0xa6: {  	v4 =	vadd.s32 v1, v4;
	_ =	sdelay $0x1  }
0xa7: {  	v3 =	vperm.xlane v3, v2;
	_ =	sdelay $0x1  }
0xa8: {  	s0 =	rddreg [dreg:$0x13];
	v3 =	vadd.s32 v1, v3  }
0xa9: {  	[hbm4b:s2+s3] =	stream.indirect_vreg.scatter [tilespmem:s0], [sflag:$0x5], $0x80, v4, vm0, $0xb8;
	[tilespmem:$0x18200] =	vst v63  }
0xaa: {  	s30 =	rddreg [dreg:$0x14]  }
0xab: {  	[hbm4b:s4+s3] =	stream.indirect_vreg.scatter [tilespmem:s30], [sflag:$0x5], $0x80, v4, vm0, $0xb8;
	[tilespmem:$0x18200] =	vst v63  }
0xac: {  	s0 =	rddreg [dreg:$0x15]  }
0xad: {  	[hbm4b:s2+s3] =	stream.indirect_vreg.scatter [tilespmem:s0], [sflag:$0x5], $0x80, v3, vm0, $0xb8;
	[tilespmem:$0x18200] =	vst v63  }
0xae: {  	s30 =	rddreg [dreg:$0x16]  }
0xaf: {  	[hbm4b:s4+s3] =	stream.indirect_vreg.scatter [tilespmem:s30], [sflag:$0x5], $0x80, v3, vm0, $0xb8;
	[tilespmem:$0x18200] =	vst v63  }
0xb0: {  	_ =	swait.ge [sflag:s28], $0x8000  }
0xb1: {  	[sflag:s28] =	ssyncset.done $0x0  }
0xb2: {  	s30 =	rddreg [dreg:$0x7];
	[sflag:s28] =	ssyncadd.s32 $0xFFFF8000  }
0xb3: {  	[tilespmem:s7], [sflag:$0x1] =	stream.linear.gather [hbm4b:s30+s3], $0x8000, $0x38;
	[tilespmem:$0x18200] =	vst v63  }
0xb4: {  	_ =	swait.ge [sflag:s29], $0x8000  }
0xb5: {  	[sflag:s29] =	ssyncset.done $0x0  }
0xb6: {  	[sflag:s29] =	ssyncadd.s32 $0xFFFF8000  }
0xb7: {  	v3 =	vld [tilespmem:$0x100];
	_ =	sdelay $0x4  }
0xb8: {  	v56 =	vshll.u32 v3, $0x2  }
0xb9: {  	v3 =	vand.u32 $0x7, v3;
	v4 =	vand.u32 $0xFFFFFFE0, v56  }
0xba: {  	v3 =	vor.u32 v3, v4  }
0xbb: {  	v4 =	vperm.xlane v3, v0;
	_ =	sdelay $0x1  }
0xbc: {  	v4 =	vadd.s32 v1, v4;
	_ =	sdelay $0x1  }
0xbd: {  	v3 =	vperm.xlane v3, v2;
	_ =	sdelay $0x1  }
0xbe: {  	v3 =	vadd.s32 v1, v3  }
0xbf: {  	[hbm4b:s2+s3] =	stream.indirect_vreg.scatter [tilespmem:s25], [sflag:$0x6], $0x80, v4, vm0, $0xb8;
	[tilespmem:$0x18200] =	vst v63  }
0xc0: {  	s0 =	rddreg [dreg:$0x17]  }
0xc1: {  	[hbm4b:s4+s3] =	stream.indirect_vreg.scatter [tilespmem:s0], [sflag:$0x6], $0x80, v4, vm0, $0xb8;
	[tilespmem:$0x18200] =	vst v63  }
0xc2: {  	s30 =	rddreg [dreg:$0x18]  }
0xc3: {  	[hbm4b:s2+s3] =	stream.indirect_vreg.scatter [tilespmem:s30], [sflag:$0x6], $0x80, v3, vm0, $0xb8;
	[tilespmem:$0x18200] =	vst v63  }
0xc4: {  	s0 =	rddreg [dreg:$0x19]  }
0xc5: {  	[hbm4b:s4+s3] =	stream.indirect_vreg.scatter [tilespmem:s0], [sflag:$0x6], $0x80, v3, vm0, $0xb8;
	[tilespmem:$0x18200] =	vst v63  }
0xc6: {  	v3 =	vld [tilespmem:$0x110];
	_ =	sdelay $0x4  }
0xc7: {  	v57 =	vshll.u32 v3, $0x2  }
0xc8: {  	v3 =	vand.u32 $0x7, v3;
	v4 =	vand.u32 $0xFFFFFFE0, v57  }
0xc9: {  	v3 =	vor.u32 v3, v4  }
0xca: {  	v4 =	vperm.xlane v3, v0;
	_ =	sdelay $0x1  }
0xcb: {  	v4 =	vadd.s32 v1, v4;
	_ =	sdelay $0x1  }
0xcc: {  	v3 =	vperm.xlane v3, v2;
	_ =	sdelay $0x1  }
0xcd: {  	s0 =	rddreg [dreg:$0x1a];
	v3 =	vadd.s32 v1, v3  }
0xce: {  	[hbm4b:s2+s3] =	stream.indirect_vreg.scatter [tilespmem:s0], [sflag:$0x6], $0x80, v4, vm0, $0xb8;
	[tilespmem:$0x18200] =	vst v63  }
0xcf: {  	s30 =	rddreg [dreg:$0x1b]  }
0xd0: {  	[hbm4b:s4+s3] =	stream.indirect_vreg.scatter [tilespmem:s30], [sflag:$0x6], $0x80, v4, vm0, $0xb8;
	[tilespmem:$0x18200] =	vst v63  }
0xd1: {  	s0 =	rddreg [dreg:$0x1c]  }
0xd2: {  	[hbm4b:s2+s3] =	stream.indirect_vreg.scatter [tilespmem:s0], [sflag:$0x6], $0x80, v3, vm0, $0xb8;
	[tilespmem:$0x18200] =	vst v63  }
0xd3: {  	s30 =	rddreg [dreg:$0x1d]  }
0xd4: {  	[hbm4b:s4+s3] =	stream.indirect_vreg.scatter [tilespmem:s30], [sflag:$0x6], $0x80, v3, vm0, $0xb8;
	[tilespmem:$0x18200] =	vst v63  }
0xd5: {  	v3 =	vld [tilespmem:$0x120];
	_ =	sdelay $0x4  }
0xd6: {  	v58 =	vshll.u32 v3, $0x2  }
0xd7: {  	v3 =	vand.u32 $0x7, v3;
	v4 =	vand.u32 $0xFFFFFFE0, v58  }
0xd8: {  	v3 =	vor.u32 v3, v4  }
0xd9: {  	v4 =	vperm.xlane v3, v0;
	_ =	sdelay $0x1  }
0xda: {  	v4 =	vadd.s32 v1, v4;
	_ =	sdelay $0x1  }
0xdb: {  	v3 =	vperm.xlane v3, v2  }
0xdc: {  	s0 =	rddreg [dreg:$0x1e]  }
0xdd: {  	s30 =	rddreg [dreg:$0x1f];
	v3 =	vadd.s32 v1, v3  }
0xde: {  	[hbm4b:s2+s3] =	stream.indirect_vreg.scatter [tilespmem:s0], [sflag:$0x6], $0x80, v4, vm0, $0xb8;
	[tilespmem:$0x18200] =	vst v63  }
0xdf: {  	s0 =	sld [smem:$0x7F9]  }
0xe0: {  	[hbm4b:s4+s3] =	stream.indirect_vreg.scatter [tilespmem:s30], [sflag:$0x6], $0x80, v4, vm0, $0xb8;
	[tilespmem:$0x18200] =	vst v63  }
0xe1: {  	s30 =	sld [smem:$0x7FA]  }
0xe2: {  	[hbm4b:s2+s3] =	stream.indirect_vreg.scatter [tilespmem:s0], [sflag:$0x6], $0x80, v3, vm0, $0xb8;
	[tilespmem:$0x18200] =	vst v63  }
0xe3: {  	_ = 	snop  }
0xe4: {  	[hbm4b:s4+s3] =	stream.indirect_vreg.scatter [tilespmem:s30], [sflag:$0x6], $0x80, v3, vm0, $0xb8;
	[tilespmem:$0x18200] =	vst v63  }
0xe5: {  	v3 =	vld [tilespmem:$0x130];
	_ =	sdelay $0x4  }
0xe6: {  	v59 =	vshll.u32 v3, $0x2  }
0xe7: {  	v3 =	vand.u32 $0x7, v3;
	v4 =	vand.u32 $0xFFFFFFE0, v59  }
0xe8: {  	v3 =	vor.u32 v3, v4  }
0xe9: {  	v4 =	vperm.xlane v3, v0;
	_ =	sdelay $0x1  }
0xea: {  	v4 =	vadd.s32 v1, v4;
	_ =	sdelay $0x1  }
0xeb: {  	s0 =	sld [smem:$0x7FB];
	v3 =	vperm.xlane v3, v2;
	_ =	sdelay $0x1  }
0xec: {  	s30 =	sld [smem:$0x7FC];
	v3 =	vadd.s32 v1, v3  }
0xed: {  	[hbm4b:s2+s3] =	stream.indirect_vreg.scatter [tilespmem:s0], [sflag:$0x6], $0x80, v4, vm0, $0xb8;
	[tilespmem:$0x18200] =	vst v63  }
0xee: {  	s0 =	sld [smem:$0x7FD]  }
0xef: {  	[hbm4b:s4+s3] =	stream.indirect_vreg.scatter [tilespmem:s30], [sflag:$0x6], $0x80, v4, vm0, $0xb8;
	[tilespmem:$0x18200] =	vst v63  }
0xf0: {  	_ = 	snop  }
0xf1: {  	[hbm4b:s2+s3] =	stream.indirect_vreg.scatter [tilespmem:s0], [sflag:$0x6], $0x80, v3, vm0, $0xb8;
	[tilespmem:$0x18200] =	vst v63  }
0xf2: {  	s30 =	simm.s32 $0x17A00  }
0xf3: {  	[hbm4b:s4+s3] =	stream.indirect_vreg.scatter [tilespmem:s30], [sflag:$0x6], $0x80, v3, vm0, $0xb8;
	[tilespmem:$0x18200] =	vst v63  }
0xf4: {  	_ =	swait.ge [sflag:s9], $0x8000  }
0xf5: {  	[sflag:s9] =	ssyncset.done $0x0  }
0xf6: {  	[sflag:s9] =	ssyncadd.s32 $0xFFFF8000  }
0xf7: {  	v3 =	vld [tilespmem:$0x180];
	_ =	sdelay $0x4  }
0xf8: {  	v60 =	vshll.u32 v3, $0x2  }
0xf9: {  	v3 =	vand.u32 $0x7, v3;
	v4 =	vand.u32 $0xFFFFFFE0, v60  }
0xfa: {  	v3 =	vor.u32 v3, v4  }
0xfb: {  	v4 =	vperm.xlane v3, v0;
	_ =	sdelay $0x1  }
0xfc: {  	v4 =	vadd.s32 v1, v4;
	_ =	sdelay $0x1  }
0xfd: {  	v3 =	vperm.xlane v3, v2;
	_ =	sdelay $0x1  }
0xfe: {  	v3 =	vadd.s32 v1, v3  }
0xff: {  	[hbm4b:s2+s3] =	stream.indirect_vreg.scatter [tilespmem:s7], [sflag:$0x4], $0x80, v4, vm0, $0xb8;
	[tilespmem:$0x18200] =	vst v63  }
0x100: {  	_ = 	snop  }
0x101: {  	[hbm4b:s4+s3] =	stream.indirect_vreg.scatter [tilespmem:s10], [sflag:$0x4], $0x80, v4, vm0, $0xb8;
	[tilespmem:$0x18200] =	vst v63  }
0x102: {  	_ = 	snop  }
0x103: {  	[hbm4b:s2+s3] =	stream.indirect_vreg.scatter [tilespmem:s11], [sflag:$0x4], $0x80, v3, vm0, $0xb8;
	[tilespmem:$0x18200] =	vst v63  }
0x104: {  	_ = 	snop  }
0x105: {  	[hbm4b:s4+s3] =	stream.indirect_vreg.scatter [tilespmem:s12], [sflag:$0x4], $0x80, v3, vm0, $0xb8;
	[tilespmem:$0x18200] =	vst v63  }
0x106: {  	v3 =	vld [tilespmem:$0x190];
	_ =	sdelay $0x4  }
0x107: {  	v61 =	vshll.u32 v3, $0x2  }
0x108: {  	v3 =	vand.u32 $0x7, v3;
	v4 =	vand.u32 $0xFFFFFFE0, v61  }
0x109: {  	v3 =	vor.u32 v3, v4  }
0x10a: {  	v4 =	vperm.xlane v3, v0;
	_ =	sdelay $0x1  }
0x10b: {  	v4 =	vadd.s32 v1, v4;
	_ =	sdelay $0x1  }
0x10c: {  	v3 =	vperm.xlane v3, v2;
	_ =	sdelay $0x1  }
0x10d: {  	v3 =	vadd.s32 v1, v3  }
0x10e: {  	[hbm4b:s2+s3] =	stream.indirect_vreg.scatter [tilespmem:s13], [sflag:$0x4], $0x80, v4, vm0, $0xb8;
	[tilespmem:$0x18200] =	vst v63  }
0x10f: {  	_ = 	snop  }
0x110: {  	[hbm4b:s4+s3] =	stream.indirect_vreg.scatter [tilespmem:s14], [sflag:$0x4], $0x80, v4, vm0, $0xb8;
	[tilespmem:$0x18200] =	vst v63  }
0x111: {  	_ = 	snop  }
0x112: {  	[hbm4b:s2+s3] =	stream.indirect_vreg.scatter [tilespmem:s15], [sflag:$0x4], $0x80, v3, vm0, $0xb8;
	[tilespmem:$0x18200] =	vst v63  }
0x113: {  	_ = 	snop  }
0x114: {  	[hbm4b:s4+s3] =	stream.indirect_vreg.scatter [tilespmem:s16], [sflag:$0x4], $0x80, v3, vm0, $0xb8;
	[tilespmem:$0x18200] =	vst v63  }
0x115: {  	v3 =	vld [tilespmem:$0x1A0];
	_ =	sdelay $0x4  }
0x116: {  	v62 =	vshll.u32 v3, $0x2  }
0x117: {  	v3 =	vand.u32 $0x7, v3;
	v4 =	vand.u32 $0xFFFFFFE0, v62  }
0x118: {  	v3 =	vor.u32 v3, v4  }
0x119: {  	v4 =	vperm.xlane v3, v0;
	_ =	sdelay $0x1  }
0x11a: {  	v4 =	vadd.s32 v1, v4;
	_ =	sdelay $0x1  }
0x11b: {  	v3 =	vperm.xlane v3, v2;
	_ =	sdelay $0x1  }
0x11c: {  	v3 =	vadd.s32 v1, v3  }
0x11d: {  	[hbm4b:s2+s3] =	stream.indirect_vreg.scatter [tilespmem:s17], [sflag:$0x4], $0x80, v4, vm0, $0xb8;
	[tilespmem:$0x18200] =	vst v63  }
0x11e: {  	_ = 	snop  }
0x11f: {  	[hbm4b:s4+s3] =	stream.indirect_vreg.scatter [tilespmem:s18], [sflag:$0x4], $0x80, v4, vm0, $0xb8;
	[tilespmem:$0x18200] =	vst v63  }
0x120: {  	_ = 	snop  }
0x121: {  	[hbm4b:s2+s3] =	stream.indirect_vreg.scatter [tilespmem:s19], [sflag:$0x4], $0x80, v3, vm0, $0xb8;
	[tilespmem:$0x18200] =	vst v63  }
0x122: {  	_ = 	snop  }
0x123: {  	[hbm4b:s4+s3] =	stream.indirect_vreg.scatter [tilespmem:s20], [sflag:$0x4], $0x80, v3, vm0, $0xb8;
	[tilespmem:$0x18200] =	vst v63  }
0x124: {  	v3 =	vld [tilespmem:$0x1B0];
	_ =	sdelay $0x4  }
0x125: {  	v63 =	vshll.u32 v3, $0x2  }
0x126: {  	v3 =	vand.u32 $0x7, v3;
	v4 =	vand.u32 $0xFFFFFFE0, v63  }
0x127: {  	v3 =	vor.u32 v3, v4  }
0x128: {  	v4 =	vperm.xlane v3, v0;
	_ =	sdelay $0x1  }
0x129: {  	v4 =	vadd.s32 v1, v4;
	_ =	sdelay $0x1  }
0x12a: {  	v3 =	vperm.xlane v3, v2;
	_ =	sdelay $0x1  }
0x12b: {  	v3 =	vadd.s32 v1, v3  }
0x12c: {  	[hbm4b:s2+s3] =	stream.indirect_vreg.scatter [tilespmem:s21], [sflag:$0x4], $0x80, v4, vm0, $0xb8;
	[tilespmem:$0x18200] =	vst v63  }
0x12d: {  	_ = 	snop  }
0x12e: {  	[hbm4b:s4+s3] =	stream.indirect_vreg.scatter [tilespmem:s22], [sflag:$0x4], $0x80, v4, vm0, $0xb8;
	[tilespmem:$0x18200] =	vst v63  }
0x12f: {  	_ = 	snop  }
0x130: {  	[hbm4b:s2+s3] =	stream.indirect_vreg.scatter [tilespmem:s23], [sflag:$0x4], $0x80, v3, vm0, $0xb8;
	[tilespmem:$0x18200] =	vst v63  }
0x131: {  	_ = 	snop  }
0x132: {  	[hbm4b:s4+s3] =	stream.indirect_vreg.scatter [tilespmem:s24], [sflag:$0x4], $0x80, v3, vm0, $0xb8;
	[tilespmem:$0x18200] =	vst v63  }
0x133: {  	_ =	swait.ge [sflag:s31], $0x8000  }
0x134: {  	[sflag:s31] =	ssyncset.done $0x0  }
0x135: {  	[sflag:s31] =	ssyncadd.s32 $0xFFFF8000  }
0x136: {  	p0 =	sne.s32 s5, $0x1;
	_ =	swait.ge [sflag:s1], $0x8000  }
.Ltmp0:
0x137: {  	[sflag:s1] =	ssyncset.done $0x0;
	(pc) =	sbr.rel @p0 .LBB2_1-.Ltmp0, $4  }
0x138: {  	[sflag:s1] =	ssyncadd.s32 $0xFFFF8000  }
0x139: {  	_ =	swait.ge [sflag:s28], $0x8000  }
0x13a: {  	[sflag:s28] =	ssyncset.done $0x0  }
0x13b: {  	s5 =	sadd.s32 $0xFFFFFFFF, s5;
	[sflag:s28] =	ssyncadd.s32 $0xFFFF8000  }
0x13c: {  	_ =	sfence.sel $0x180000  }
0x13d: {  	[bflag:$0x0] =	sbarrier.arrive $0xFFFF  }
0x13e: {  	_ =	strace $0x9000004A  }
0x13f: {  	s0 =	stileid.u32;
	[bflag:$0x2] =	sbarrier.arrive $0xFFFF  }
0x140: {  	p0 =	sne.s32 s0, $0x0;
	s0 =	rddreg [dreg:$0x2]  }
0x141: {  	s0 =	sadd.s32 @!p0 $0x100000, s0  }
0x142: {  	[sflag:s0] =	ssyncadd.tile.s32 @!p0 $0x1;
	_ =	shalt  }
.Lfunc_end2:
_tile_overlayer_lowered:
.L_overlay_start_2:
0x143: {  	(tag) =	ssettag $0x2  }
0x144: {  	s0 =	rddreg [dreg:$0x0];
	s2 =	stileid.u32  }
0x145: {  	s1 =	rddreg [dreg:$0x1];
	p0 =	sne.s32 s2, $0x0  }
0x146: {  	s3 =	rddreg [dreg:$0x2];
	[bflag:$0x3] =	sbarrier.arrive $0xFFFF;
	s2 =	simm.s32 @!p0 $0x1C07  }
0x147: {  	[timem:s3], [sflag:s2] =	dma.local @!p0 [hbm:s0], s1  }
0x148: {  	s0 =	simm.s32 @!p0 $0x7  }
0x149: {  	_ =	swait.ge @!p0 [sflag:s0], s1  }
0x14a: {  	s1 =	ssub.s32 @!p0 $0x0, s1;
	[sflag:s0] =	ssyncset.done @!p0 $0x0  }
0x14b: {  	[sflag:s0] =	ssyncadd.s32 @!p0 s1  }
0x14c: {  	[bflag:$0x3] =	sbarrier.arrive $0xFFFF  }
0x14d: {  	_ =	shalt  }

</sc_bundles>
